<compile_context>
chip_gen: v7x
topology: tpu7x:2x2x1
jax: 0.10.2.dev20260603
libtpu: 0.0.44.dev20260713+nightly
codegen_flags: <defaults>
</compile_context>

<pallas_src>
import functools

import jax
import jax.numpy as jnp
from jax import lax
from jax.experimental import pallas as pl
from jax.experimental.pallas import tpu as pltpu
from jax.experimental.pallas import tpu_sc as plsc

R = 32
B, C, N = 8, 64, 100000
V = R * R * R
CH = 4000
NCH = N // CH
STEPS = CH // 16
NB_SC = B // 2
CPS = C // 16


def _coords_body(coords_ref, norm_ref, idx_ref):
    c = coords_ref[0]
    mean = jnp.mean(c, axis=1, keepdims=True)
    cen = c - mean
    sq = jnp.sum(cen * cen, axis=0, keepdims=True)
    denom = jnp.sqrt(jnp.max(sq)) * 2.0
    scaled = jnp.clip((cen / denom + 0.5) * R, 0.0, R - 1.0)
    norm_ref[0] = scaled
    vox = jnp.round(scaled).astype(jnp.int32)
    idx_ref[0] = vox[0:1] * (R * R) + vox[1:2] * R + vox[2:3]


_coords_call = pl.pallas_call(
    _coords_body,
    grid=(B,),
    in_specs=[pl.BlockSpec((1, 3, N), lambda i: (i, 0, 0))],
    out_specs=[pl.BlockSpec((1, 3, N), lambda i: (i, 0, 0)),
               pl.BlockSpec((1, 1, N), lambda i: (i, 0, 0))],
    out_shape=(jax.ShapeDtypeStruct((B, 3, N), jnp.float32),
               jax.ShapeDtypeStruct((B, 1, N), jnp.int32)),
)


@functools.cache
def _build_scatter_kernel():
    mesh = plsc.VectorSubcoreMesh(core_axis_name="c", subcore_axis_name="s")
    return pl.kernel(
        _scatter_body,
        out_type=(jax.ShapeDtypeStruct((B * C * V,), jnp.float32),
                  jax.ShapeDtypeStruct((B * V,), jnp.float32)),
        mesh=mesh,
        compiler_params=pltpu.CompilerParams(needs_layout_passes=False),
        scratch_types=[
            pltpu.VMEM((V,), jnp.float32),
            pltpu.VMEM((V,), jnp.float32),
            pltpu.VMEM((V,), jnp.float32),
            pltpu.VMEM((CH,), jnp.int32),
            pltpu.VMEM((CH,), jnp.float32),
            pltpu.VMEM((CH,), jnp.float32),
            pltpu.VMEM((CH,), jnp.int32),
            pltpu.VMEM((CH,), jnp.float32),
            pltpu.VMEM((CH,), jnp.float32),
            pltpu.SemaphoreType.DMA,
            pltpu.SemaphoreType.DMA,
        ],
    )


def _scatter_body(feat_hbm, idx_hbm, sums_hbm, cnts_hbm,
                  grid0, grid1, gridc,
                  idxA, f0A, f1A, idxB, f0B, f1B, semA, semB):
    co = lax.axis_index("c")
    s = lax.axis_index("s")
    ones = jnp.full((16,), 1.0, jnp.float32)
    zeros = jnp.zeros((16,), jnp.float32)

    def slices(k, b, c0):
        off = k * CH
        return (feat_hbm.at[pl.ds((b * C + c0) * N + off, CH)],
                feat_hbm.at[pl.ds((b * C + c0 + 1) * N + off, CH)],
                idx_hbm.at[pl.ds(b * N + off, CH)])

    def start(k, b, c0, idxb, f0, f1, sem):
        s0, s1, si = slices(k, b, c0)
        pltpu.async_copy(s0, f0, sem)
        pltpu.async_copy(s1, f1, sem)
        pltpu.async_copy(si, idxb, sem)

    def waitall(k, b, c0, idxb, f0, f1, sem):
        s0, s1, si = slices(k, b, c0)
        pltpu.make_async_copy(s0, f0, sem).wait()
        pltpu.make_async_copy(s1, f1, sem).wait()
        pltpu.make_async_copy(si, idxb, sem).wait()

    def scatter(idxb, f0, f1, dc):
        @plsc.parallel_loop(0, STEPS, 1, unroll=8)
        def step(i):
            iv = idxb[pl.ds(i * 16, 16)]
            plsc.addupdate_scatter(grid0, [iv], f0[pl.ds(i * 16, 16)])
            plsc.addupdate_scatter(grid1, [iv], f1[pl.ds(i * 16, 16)])

        @pl.when(dc)
        def _cnt():
            @plsc.parallel_loop(0, STEPS, 1, unroll=8)
            def cstep(i):
                iv = idxb[pl.ds(i * 16, 16)]
                plsc.addupdate_scatter(gridc, [iv], ones)

    def pass_body(p, carry):
        bi = p // 2
        pair = p % 2
        b = co * NB_SC + bi
        c0 = s * CPS + pair * 2
        dc = jnp.logical_and(s == bi, pair == 0)

        start(0, b, c0, idxA, f0A, f1A, semA)

        def zbody(i, cy):
            grid0[pl.ds(i * 16, 16)] = zeros
            grid1[pl.ds(i * 16, 16)] = zeros
            return cy
        lax.fori_loop(0, V // 16, zbody, 0, unroll=4)

        @pl.when(dc)
        def _zc():
            def zcb(i, cy):
                gridc[pl.ds(i * 16, 16)] = zeros
                return cy
            lax.fori_loop(0, V // 16, zcb, 0, unroll=4)

        def pair_body(j, cy):
            kA = 2 * j
            start(kA + 1, b, c0, idxB, f0B, f1B, semB)
            waitall(kA, b, c0, idxA, f0A, f1A, semA)
            scatter(idxA, f0A, f1A, dc)
            start(kA + 2, b, c0, idxA, f0A, f1A, semA)
            waitall(kA + 1, b, c0, idxB, f0B, f1B, semB)
            scatter(idxB, f0B, f1B, dc)
            return cy
        lax.fori_loop(0, (NCH - 1) // 2, pair_body, 0)

        waitall(NCH - 1, b, c0, idxA, f0A, f1A, semA)
        scatter(idxA, f0A, f1A, dc)

        pltpu.sync_copy(grid0, sums_hbm.at[pl.ds((b * C + c0) * V, V)])
        pltpu.sync_copy(grid1, sums_hbm.at[pl.ds((b * C + c0 + 1) * V, V)])

        @pl.when(dc)
        def _wc():
            pltpu.sync_copy(gridc, cnts_hbm.at[pl.ds(b * V, V)])
        return carry

    lax.fori_loop(0, NB_SC * 2, pass_body, 0)


def _div_body(s_ref, c_ref, o_ref):
    s = s_ref[...].reshape(_CB, V)
    c = c_ref[...].reshape(1, V)
    o_ref[0] = s / jnp.maximum(c, 1.0)


_CB = 16
_div_call = pl.pallas_call(
    _div_body,
    grid=(B, C // _CB),
    in_specs=[pl.BlockSpec((_CB * V,), lambda i, j: (i * (C // _CB) + j,)),
              pl.BlockSpec((V,), lambda i, j: (i,))],
    out_specs=pl.BlockSpec((1, _CB, V), lambda i, j: (i, j, 0)),
    out_shape=jax.ShapeDtypeStruct((B, C, V), jnp.float32),
)


def kernel(features, coords):
    norm, flat = _coords_call(coords)
    sums, cnts = _build_scatter_kernel()(features.reshape(B * C * N),
                                         flat.reshape(B * N))
    vox = _div_call(sums, cnts)
    return vox.reshape(B, C, R, R, R), norm

# --- scband reference (transcript-rebuilt; emitter-appended) ---
"""Pipeline reference for scband-voxelization-4148938408192 (READ-ONLY COPY).

The authoritative reference and input builder live on the scoring server;
editing this copy changes nothing except your own understanding.
"""

import jax, jax.numpy as jnp
import numpy as np

R = 32
EPS = 0.0
NORMALIZE = True


def setup_inputs(seed: int = 0) -> dict:
    key = jax.random.key(seed)
    k1, k2 = jax.random.split(key)
    features = jax.random.normal(k1, (8, 64, 100000), dtype=jnp.float32)
    coords = jax.random.normal(k2, (8, 3, 100000), dtype=jnp.float32)
    return {"features": features, "coords": coords}


def _avg_voxelize(features, vox_coords, r):
    # features: [B, C, N]; vox_coords: [B, 3, N] int32 in [0, r-1]
    B, C, N = features.shape
    flat_idx = (vox_coords[:, 0].astype(jnp.int32) * (r * r)
                + vox_coords[:, 1].astype(jnp.int32) * r
                + vox_coords[:, 2].astype(jnp.int32))  # [B, N]

    def per_batch(f, idx):
        # f: [C, N], idx: [N]
        sums = jax.ops.segment_sum(f.T, idx, num_segments=r * r * r)  # [r^3, C]
        cnt = jax.ops.segment_sum(jnp.ones((idx.shape[0],), dtype=f.dtype), idx,
                                  num_segments=r * r * r)  # [r^3]
        avg = sums / jnp.maximum(cnt, 1.0)[:, None]
        return avg.T  # [C, r^3]

    out = jax.vmap(per_batch)(features, flat_idx)  # [B, C, r^3]
    return out.reshape(B, C, r, r, r)


def reference(features, coords):
    coords = jax.lax.stop_gradient(coords)
    norm_coords = coords - jnp.mean(coords, axis=2, keepdims=True)
    if NORMALIZE:
        nrm = jnp.linalg.norm(norm_coords, axis=1, keepdims=True)  # [B,1,N]
        denom = jnp.max(nrm, axis=2, keepdims=True) * 2.0 + EPS    # [B,1,1]
        norm_coords = norm_coords / denom + 0.5
    else:
        norm_coords = (norm_coords + 1.0) / 2.0
    norm_coords = jnp.clip(norm_coords * R, 0.0, R - 1)
    vox_coords = jnp.round(norm_coords).astype(jnp.int32)
    vox_feats = _avg_voxelize(features, vox_coords, R)
    return (vox_feats, norm_coords)

if __name__ == "__main__":
    import jax
    _d = setup_inputs()
    print(jax.jit(kernel)(*tuple(_d.values())))

</pallas_src>

<mosaic_0001>
#map = affine_map<(d0, d1) -> (0)>
module attributes {stable_mosaic.version = 14 : i64} {
  func.func @_scatter_body(%arg0: i32, %arg1: i32, %arg2: memref<51200000xf32, #tpu.memory_space<hbm>>, %arg3: memref<800000xi32, #tpu.memory_space<hbm>>, %arg4: memref<16777216xf32, #tpu.memory_space<hbm>>, %arg5: memref<262144xf32, #tpu.memory_space<hbm>>, %arg6: memref<32768xf32, #tpu.memory_space<vmem>>, %arg7: memref<32768xf32, #tpu.memory_space<vmem>>, %arg8: memref<32768xf32, #tpu.memory_space<vmem>>, %arg9: memref<4000xi32, #tpu.memory_space<vmem>>, %arg10: memref<4000xf32, #tpu.memory_space<vmem>>, %arg11: memref<4000xf32, #tpu.memory_space<vmem>>, %arg12: memref<4000xi32, #tpu.memory_space<vmem>>, %arg13: memref<4000xf32, #tpu.memory_space<vmem>>, %arg14: memref<4000xf32, #tpu.memory_space<vmem>>, %arg15: memref<!tpu.dma_semaphore, #tpu.memory_space<semaphore_mem>>, %arg16: memref<!tpu.dma_semaphore, #tpu.memory_space<semaphore_mem>>) attributes {dimension_semantics = [#tpu.dimension_semantics<core_parallel>, #tpu.dimension_semantics<subcore_parallel>], iteration_bounds = array<i64: 2, 16>, scalar_prefetch = 0 : i64, scratch_operands = 11 : i64, tpu.core_type = #tpu.core_type<sc_vector_subcore>, window_params = [{transform_indices = #map}, {transform_indices = #map}, {transform_indices = #map}, {transform_indices = #map}]} {
    %broadcast_in_dim3A = arith.constant 1.000000e+00 : f32
    %broadcast_in_dim3A_0 = vector.broadcast %broadcast_in_dim3A : f32 to vector<16xf32>
    %broadcast_in_dim3A_1 = arith.constant 0.000000e+00 : f32
    %broadcast_in_dim3A_2 = vector.broadcast %broadcast_in_dim3A_1 : f32 to vector<16xf32>
    %scan3A = arith.constant 0 : i32
    %scan3A_3 = arith.constant 0 : i32
    %scan3A_4 = arith.constant 8 : i32
    %scan3A_5 = arith.addi %scan3A_3, %scan3A_4 : i32
    %scan3A_6 = arith.constant 1 : i32
    scf.for %scan3A_8 = %scan3A_3 to %scan3A_5 step %scan3A_6  : i32 {
      %jit3A = arith.constant 2 : i32
      %div3A = arith.divsi %scan3A_8, %jit3A : i32
      %sign3A = arith.constant 0 : i32
      %sign3A_9 = arith.cmpi sgt, %scan3A_8, %sign3A : i32
      %sign3A_10 = arith.extui %sign3A_9 : i1 to i32
      %sign3A_11 = arith.constant 0 : i32
      %sign3A_12 = arith.cmpi slt, %scan3A_8, %sign3A_11 : i32
      %sign3A_13 = arith.extui %sign3A_12 : i1 to i32
      %sign3A_14 = arith.subi %sign3A_10, %sign3A_13 : i32
      %sign3A_15 = arith.constant 0 : i32
      %sign3A_16 = arith.cmpi sgt, %jit3A, %sign3A_15 : i32
      %sign3A_17 = arith.extui %sign3A_16 : i1 to i32
      %sign3A_18 = arith.constant 0 : i32
      %sign3A_19 = arith.cmpi slt, %jit3A, %sign3A_18 : i32
      %sign3A_20 = arith.extui %sign3A_19 : i1 to i32
      %sign3A_21 = arith.subi %sign3A_17, %sign3A_20 : i32
      %ne3A = arith.cmpi ne, %sign3A_14, %sign3A_21 : i32
      %rem3A = arith.remsi %scan3A_8, %jit3A : i32
      %ne3A_22 = arith.constant 0 : i32
      %ne3A_23 = arith.cmpi ne, %rem3A, %ne3A_22 : i32
      %and3A = arith.andi %ne3A, %ne3A_23 : i1
      %sub3A = arith.constant 1 : i32
      %sub3A_24 = arith.subi %div3A, %sub3A : i32
      %select_n3A = arith.select %and3A, %sub3A_24, %div3A : i32
      %jit3A_25 = arith.constant 2 : i32
      %eq3A = arith.constant 0 : i32
      %eq3A_26 = arith.cmpi eq, %jit3A_25, %eq3A : i32
      %jit3A_27 = arith.constant 1 : i32
      %select_n3A_28 = arith.select %eq3A_26, %jit3A_27, %jit3A_25 : i32
      %rem3A_29 = arith.remsi %scan3A_8, %select_n3A_28 : i32
      %ne3A_30 = arith.constant 0 : i32
      %ne3A_31 = arith.cmpi ne, %rem3A_29, %ne3A_30 : i32
      %lt3A = arith.constant 0 : i32
      %lt3A_32 = arith.cmpi slt, %rem3A_29, %lt3A : i32
      %lt3A_33 = arith.constant 0 : i32
      %lt3A_34 = arith.cmpi slt, %select_n3A_28, %lt3A_33 : i32
      %ne3A_35 = arith.xori %lt3A_32, %lt3A_34 : i1
      %and3A_36 = arith.andi %ne3A_35, %ne3A_31 : i1
      %add3A = arith.addi %rem3A_29, %select_n3A_28 : i32
      %select_n3A_37 = arith.select %and3A_36, %add3A, %rem3A_29 : i32
      %mul3A = arith.constant 4 : i32
      %mul3A_38 = arith.muli %arg0, %mul3A : i32
      %add3A_39 = arith.addi %mul3A_38, %select_n3A : i32
      %mul3A_40 = arith.constant 4 : i32
      %mul3A_41 = arith.muli %arg1, %mul3A_40 : i32
      %mul3A_42 = arith.constant 2 : i32
      %mul3A_43 = arith.muli %select_n3A_37, %mul3A_42 : i32
      %add3A_44 = arith.addi %mul3A_41, %mul3A_43 : i32
      %eq3A_45 = arith.cmpi eq, %arg1, %select_n3A : i32
      %eq3A_46 = arith.constant 0 : i32
      %eq3A_47 = arith.cmpi eq, %select_n3A_37, %eq3A_46 : i32
      %and3A_48 = arith.andi %eq3A_45, %eq3A_47 : i1
      %mul3A_49 = arith.constant 64 : i32
      %mul3A_50 = arith.muli %add3A_39, %mul3A_49 : i32
      %add3A_51 = arith.addi %mul3A_50, %add3A_44 : i32
      %mul3A_52 = arith.constant 100000 : i32
      %mul3A_53 = arith.muli %add3A_51, %mul3A_52 : i32
      %add3A_54 = arith.constant 0 : i32
      %add3A_55 = arith.addi %mul3A_53, %add3A_54 : i32
      %mul3A_56 = arith.constant 64 : i32
      %mul3A_57 = arith.muli %add3A_39, %mul3A_56 : i32
      %add3A_58 = arith.addi %mul3A_57, %add3A_44 : i32
      %add3A_59 = arith.constant 1 : i32
      %add3A_60 = arith.addi %add3A_58, %add3A_59 : i32
      %mul3A_61 = arith.constant 100000 : i32
      %mul3A_62 = arith.muli %add3A_60, %mul3A_61 : i32
      %add3A_63 = arith.constant 0 : i32
      %add3A_64 = arith.addi %mul3A_62, %add3A_63 : i32
      %mul3A_65 = arith.constant 100000 : i32
      %mul3A_66 = arith.muli %add3A_39, %mul3A_65 : i32
      %add3A_67 = arith.constant 0 : i32
      %add3A_68 = arith.addi %mul3A_66, %add3A_67 : i32
      %dma_start3A = tpu.memref_slice %arg2[%add3A_55] : memref<51200000xf32, #tpu.memory_space<hbm>> -> memref<4000xf32, #tpu.memory_space<hbm>>
      %dma_start3A_69 = tpu.memref_slice %arg2[%add3A_55] : memref<51200000xf32, #tpu.memory_space<hbm>> -> memref<4000xf32, #tpu.memory_space<hbm>>
      tpu.enqueue_dma source(%dma_start3A_69 : memref<4000xf32, #tpu.memory_space<hbm>>) target(%arg10 : memref<4000xf32, #tpu.memory_space<vmem>>) target_semaphore(%arg15 : memref<!tpu.dma_semaphore, #tpu.memory_space<semaphore_mem>>)
      %dma_start3A_70 = tpu.memref_slice %arg2[%add3A_64] : memref<51200000xf32, #tpu.memory_space<hbm>> -> memref<4000xf32, #tpu.memory_space<hbm>>
      %dma_start3A_71 = tpu.memref_slice %arg2[%add3A_64] : memref<51200000xf32, #tpu.memory_space<hbm>> -> memref<4000xf32, #tpu.memory_space<hbm>>
      tpu.enqueue_dma source(%dma_start3A_71 : memref<4000xf32, #tpu.memory_space<hbm>>) target(%arg11 : memref<4000xf32, #tpu.memory_space<vmem>>) target_semaphore(%arg15 : memref<!tpu.dma_semaphore, #tpu.memory_space<semaphore_mem>>)
      %dma_start3A_72 = tpu.memref_slice %arg3[%add3A_68] : memref<800000xi32, #tpu.memory_space<hbm>> -> memref<4000xi32, #tpu.memory_space<hbm>>
      %dma_start3A_73 = tpu.memref_slice %arg3[%add3A_68] : memref<800000xi32, #tpu.memory_space<hbm>> -> memref<4000xi32, #tpu.memory_space<hbm>>
      tpu.enqueue_dma source(%dma_start3A_73 : memref<4000xi32, #tpu.memory_space<hbm>>) target(%arg9 : memref<4000xi32, #tpu.memory_space<vmem>>) target_semaphore(%arg15 : memref<!tpu.dma_semaphore, #tpu.memory_space<semaphore_mem>>)
      %scan3A_74 = arith.constant 0 : i32
      %scan3A_75 = arith.constant 0 : i32
      %scan3A_76 = arith.constant 2048 : i32
      %scan3A_77 = arith.addi %scan3A_75, %scan3A_76 : i32
      %scan3A_78 = arith.constant 4 : i32
      scf.for %scan3A_132 = %scan3A_75 to %scan3A_77 step %scan3A_78  : i32 {
        %mul3A_133 = arith.constant 16 : i32
        %mul3A_134 = arith.muli %scan3A_132, %mul3A_133 : i32
        %swap3A = arith.index_cast %mul3A_134 : i32 to index
        %swap3A_135 = tpu.vector_load %arg6[%swap3A] {strides = array<i32>} : memref<32768xf32, #tpu.memory_space<vmem>>, vector<16xf32>,
        tpu.vector_store %arg6[%swap3A], %broadcast_in_dim3A_2 {strides = array<i32>} : memref<32768xf32, #tpu.memory_space<vmem>>, vector<16xf32>,
        %mul3A_136 = arith.constant 16 : i32
        %mul3A_137 = arith.muli %scan3A_132, %mul3A_136 : i32
        %swap3A_138 = arith.index_cast %mul3A_137 : i32 to index
        %swap3A_139 = tpu.vector_load %arg7[%swap3A_138] {strides = array<i32>} : memref<32768xf32, #tpu.memory_space<vmem>>, vector<16xf32>,
        tpu.vector_store %arg7[%swap3A_138], %broadcast_in_dim3A_2 {strides = array<i32>} : memref<32768xf32, #tpu.memory_space<vmem>>, vector<16xf32>,
        %scan3A_140 = arith.constant 1 : i32
        %scan3A_141 = arith.addi %scan3A_132, %scan3A_140 : i32
        %mul3A_142 = arith.constant 16 : i32
        %mul3A_143 = arith.muli %scan3A_141, %mul3A_142 : i32
        %swap3A_144 = arith.index_cast %mul3A_143 : i32 to index
        %swap3A_145 = tpu.vector_load %arg6[%swap3A_144] {strides = array<i32>} : memref<32768xf32, #tpu.memory_space<vmem>>, vector<16xf32>,
        tpu.vector_store %arg6[%swap3A_144], %broadcast_in_dim3A_2 {strides = array<i32>} : memref<32768xf32, #tpu.memory_space<vmem>>, vector<16xf32>,
        %mul3A_146 = arith.constant 16 : i32
        %mul3A_147 = arith.muli %scan3A_141, %mul3A_146 : i32
        %swap3A_148 = arith.index_cast %mul3A_147 : i32 to index
        %swap3A_149 = tpu.vector_load %arg7[%swap3A_148] {strides = array<i32>} : memref<32768xf32, #tpu.memory_space<vmem>>, vector<16xf32>,
        tpu.vector_store %arg7[%swap3A_148], %broadcast_in_dim3A_2 {strides = array<i32>} : memref<32768xf32, #tpu.memory_space<vmem>>, vector<16xf32>,
        %scan3A_150 = arith.constant 2 : i32
        %scan3A_151 = arith.addi %scan3A_132, %scan3A_150 : i32
        %mul3A_152 = arith.constant 16 : i32
        %mul3A_153 = arith.muli %scan3A_151, %mul3A_152 : i32
        %swap3A_154 = arith.index_cast %mul3A_153 : i32 to index
        %swap3A_155 = tpu.vector_load %arg6[%swap3A_154] {strides = array<i32>} : memref<32768xf32, #tpu.memory_space<vmem>>, vector<16xf32>,
        tpu.vector_store %arg6[%swap3A_154], %broadcast_in_dim3A_2 {strides = array<i32>} : memref<32768xf32, #tpu.memory_space<vmem>>, vector<16xf32>,
        %mul3A_156 = arith.constant 16 : i32
        %mul3A_157 = arith.muli %scan3A_151, %mul3A_156 : i32
        %swap3A_158 = arith.index_cast %mul3A_157 : i32 to index
        %swap3A_159 = tpu.vector_load %arg7[%swap3A_158] {strides = array<i32>} : memref<32768xf32, #tpu.memory_space<vmem>>, vector<16xf32>,
        tpu.vector_store %arg7[%swap3A_158], %broadcast_in_dim3A_2 {strides = array<i32>} : memref<32768xf32, #tpu.memory_space<vmem>>, vector<16xf32>,
        %scan3A_160 = arith.constant 3 : i32
        %scan3A_161 = arith.addi %scan3A_132, %scan3A_160 : i32
        %mul3A_162 = arith.constant 16 : i32
        %mul3A_163 = arith.muli %scan3A_161, %mul3A_162 : i32
        %swap3A_164 = arith.index_cast %mul3A_163 : i32 to index
        %swap3A_165 = tpu.vector_load %arg6[%swap3A_164] {strides = array<i32>} : memref<32768xf32, #tpu.memory_space<vmem>>, vector<16xf32>,
        tpu.vector_store %arg6[%swap3A_164], %broadcast_in_dim3A_2 {strides = array<i32>} : memref<32768xf32, #tpu.memory_space<vmem>>, vector<16xf32>,
        %mul3A_166 = arith.constant 16 : i32
        %mul3A_167 = arith.muli %scan3A_161, %mul3A_166 : i32
        %swap3A_168 = arith.index_cast %mul3A_167 : i32 to index
        %swap3A_169 = tpu.vector_load %arg7[%swap3A_168] {strides = array<i32>} : memref<32768xf32, #tpu.memory_space<vmem>>, vector<16xf32>,
        tpu.vector_store %arg7[%swap3A_168], %broadcast_in_dim3A_2 {strides = array<i32>} : memref<32768xf32, #tpu.memory_space<vmem>>, vector<16xf32>,
      }
      %scan3A_79 = arith.constant 2048 : i32
      %convert_element_type3A = arith.extui %and3A_48 : i1 to i32
      %cond3A = arith.constant 0 : i32
      %cond3A_80 = arith.cmpi ne, %convert_element_type3A, %cond3A : i32
      scf.if %cond3A_80 {
        %scan3A_132 = arith.constant 0 : i32
        %scan3A_133 = arith.constant 0 : i32
        %scan3A_134 = arith.constant 2048 : i32
        %scan3A_135 = arith.addi %scan3A_133, %scan3A_134 : i32
        %scan3A_136 = arith.constant 4 : i32
        scf.for %scan3A_138 = %scan3A_133 to %scan3A_135 step %scan3A_136  : i32 {
          %mul3A_139 = arith.constant 16 : i32
          %mul3A_140 = arith.muli %scan3A_138, %mul3A_139 : i32
          %swap3A = arith.index_cast %mul3A_140 : i32 to index
          %swap3A_141 = tpu.vector_load %arg8[%swap3A] {strides = array<i32>} : memref<32768xf32, #tpu.memory_space<vmem>>, vector<16xf32>,
          tpu.vector_store %arg8[%swap3A], %broadcast_in_dim3A_2 {strides = array<i32>} : memref<32768xf32, #tpu.memory_space<vmem>>, vector<16xf32>,
          %scan3A_142 = arith.constant 1 : i32
          %scan3A_143 = arith.addi %scan3A_138, %scan3A_142 : i32
          %mul3A_144 = arith.constant 16 : i32
          %mul3A_145 = arith.muli %scan3A_143, %mul3A_144 : i32
          %swap3A_146 = arith.index_cast %mul3A_145 : i32 to index
          %swap3A_147 = tpu.vector_load %arg8[%swap3A_146] {strides = array<i32>} : memref<32768xf32, #tpu.memory_space<vmem>>, vector<16xf32>,
          tpu.vector_store %arg8[%swap3A_146], %broadcast_in_dim3A_2 {strides = array<i32>} : memref<32768xf32, #tpu.memory_space<vmem>>, vector<16xf32>,
          %scan3A_148 = arith.constant 2 : i32
          %scan3A_149 = arith.addi %scan3A_138, %scan3A_148 : i32
          %mul3A_150 = arith.constant 16 : i32
          %mul3A_151 = arith.muli %scan3A_149, %mul3A_150 : i32
          %swap3A_152 = arith.index_cast %mul3A_151 : i32 to index
          %swap3A_153 = tpu.vector_load %arg8[%swap3A_152] {strides = array<i32>} : memref<32768xf32, #tpu.memory_space<vmem>>, vector<16xf32>,
          tpu.vector_store %arg8[%swap3A_152], %broadcast_in_dim3A_2 {strides = array<i32>} : memref<32768xf32, #tpu.memory_space<vmem>>, vector<16xf32>,
          %scan3A_154 = arith.constant 3 : i32
          %scan3A_155 = arith.addi %scan3A_138, %scan3A_154 : i32
          %mul3A_156 = arith.constant 16 : i32
          %mul3A_157 = arith.muli %scan3A_155, %mul3A_156 : i32
          %swap3A_158 = arith.index_cast %mul3A_157 : i32 to index
          %swap3A_159 = tpu.vector_load %arg8[%swap3A_158] {strides = array<i32>} : memref<32768xf32, #tpu.memory_space<vmem>>, vector<16xf32>,
          tpu.vector_store %arg8[%swap3A_158], %broadcast_in_dim3A_2 {strides = array<i32>} : memref<32768xf32, #tpu.memory_space<vmem>>, vector<16xf32>,
        }
        %scan3A_137 = arith.constant 2048 : i32
      } else {
      }
      %scan3A_81 = arith.constant 0 : i32
      %scan3A_82 = arith.constant 0 : i32
      %scan3A_83 = arith.constant 12 : i32
      %scan3A_84 = arith.addi %scan3A_82, %scan3A_83 : i32
      %scan3A_85 = arith.constant 1 : i32
      scf.for %scan3A_132 = %scan3A_82 to %scan3A_84 step %scan3A_85  : i32 {
        %mul3A_133 = arith.constant 2 : i32
        %mul3A_134 = arith.muli %mul3A_133, %scan3A_132 : i32
        %add3A_135 = arith.constant 1 : i32
        %add3A_136 = arith.addi %mul3A_134, %add3A_135 : i32
        %mul3A_137 = arith.constant 4000 : i32
        %mul3A_138 = arith.muli %add3A_136, %mul3A_137 : i32
        %mul3A_139 = arith.constant 64 : i32
        %mul3A_140 = arith.muli %add3A_39, %mul3A_139 : i32
        %add3A_141 = arith.addi %mul3A_140, %add3A_44 : i32
        %mul3A_142 = arith.constant 100000 : i32
        %mul3A_143 = arith.muli %add3A_141, %mul3A_142 : i32
        %add3A_144 = arith.addi %mul3A_143, %mul3A_138 : i32
        %mul3A_145 = arith.constant 64 : i32
        %mul3A_146 = arith.muli %add3A_39, %mul3A_145 : i32
        %add3A_147 = arith.addi %mul3A_146, %add3A_44 : i32
        %add3A_148 = arith.constant 1 : i32
        %add3A_149 = arith.addi %add3A_147, %add3A_148 : i32
        %mul3A_150 = arith.constant 100000 : i32
        %mul3A_151 = arith.muli %add3A_149, %mul3A_150 : i32
        %add3A_152 = arith.addi %mul3A_151, %mul3A_138 : i32
        %mul3A_153 = arith.constant 100000 : i32
        %mul3A_154 = arith.muli %add3A_39, %mul3A_153 : i32
        %add3A_155 = arith.addi %mul3A_154, %mul3A_138 : i32
        %dma_start3A_156 = tpu.memref_slice %arg2[%add3A_144] : memref<51200000xf32, #tpu.memory_space<hbm>> -> memref<4000xf32, #tpu.memory_space<hbm>>
        %dma_start3A_157 = tpu.memref_slice %arg2[%add3A_144] : memref<51200000xf32, #tpu.memory_space<hbm>> -> memref<4000xf32, #tpu.memory_space<hbm>>
        tpu.enqueue_dma source(%dma_start3A_157 : memref<4000xf32, #tpu.memory_space<hbm>>) target(%arg13 : memref<4000xf32, #tpu.memory_space<vmem>>) target_semaphore(%arg16 : memref<!tpu.dma_semaphore, #tpu.memory_space<semaphore_mem>>)
        %dma_start3A_158 = tpu.memref_slice %arg2[%add3A_152] : memref<51200000xf32, #tpu.memory_space<hbm>> -> memref<4000xf32, #tpu.memory_space<hbm>>
        %dma_start3A_159 = tpu.memref_slice %arg2[%add3A_152] : memref<51200000xf32, #tpu.memory_space<hbm>> -> memref<4000xf32, #tpu.memory_space<hbm>>
        tpu.enqueue_dma source(%dma_start3A_159 : memref<4000xf32, #tpu.memory_space<hbm>>) target(%arg14 : memref<4000xf32, #tpu.memory_space<vmem>>) target_semaphore(%arg16 : memref<!tpu.dma_semaphore, #tpu.memory_space<semaphore_mem>>)
        %dma_start3A_160 = tpu.memref_slice %arg3[%add3A_155] : memref<800000xi32, #tpu.memory_space<hbm>> -> memref<4000xi32, #tpu.memory_space<hbm>>
        %dma_start3A_161 = tpu.memref_slice %arg3[%add3A_155] : memref<800000xi32, #tpu.memory_space<hbm>> -> memref<4000xi32, #tpu.memory_space<hbm>>
        tpu.enqueue_dma source(%dma_start3A_161 : memref<4000xi32, #tpu.memory_space<hbm>>) target(%arg12 : memref<4000xi32, #tpu.memory_space<vmem>>) target_semaphore(%arg16 : memref<!tpu.dma_semaphore, #tpu.memory_space<semaphore_mem>>)
        %mul3A_162 = arith.constant 4000 : i32
        %mul3A_163 = arith.muli %mul3A_134, %mul3A_162 : i32
        %mul3A_164 = arith.constant 64 : i32
        %mul3A_165 = arith.muli %add3A_39, %mul3A_164 : i32
        %add3A_166 = arith.addi %mul3A_165, %add3A_44 : i32
        %mul3A_167 = arith.constant 100000 : i32
        %mul3A_168 = arith.muli %add3A_166, %mul3A_167 : i32
        %add3A_169 = arith.addi %mul3A_168, %mul3A_163 : i32
        %mul3A_170 = arith.constant 64 : i32
        %mul3A_171 = arith.muli %add3A_39, %mul3A_170 : i32
        %add3A_172 = arith.addi %mul3A_171, %add3A_44 : i32
        %add3A_173 = arith.constant 1 : i32
        %add3A_174 = arith.addi %add3A_172, %add3A_173 : i32
        %mul3A_175 = arith.constant 100000 : i32
        %mul3A_176 = arith.muli %add3A_174, %mul3A_175 : i32
        %add3A_177 = arith.addi %mul3A_176, %mul3A_163 : i32
        %mul3A_178 = arith.constant 100000 : i32
        %mul3A_179 = arith.muli %add3A_39, %mul3A_178 : i32
        %add3A_180 = arith.addi %mul3A_179, %mul3A_163 : i32
        %dma_wait3A_181 = tpu.memref_slice %arg2[%add3A_169] : memref<51200000xf32, #tpu.memory_space<hbm>> -> memref<4000xf32, #tpu.memory_space<hbm>>
        %dma_wait3A_182 = tpu.memref_slice %arg2[%add3A_169] : memref<51200000xf32, #tpu.memory_space<hbm>> -> memref<4000xf32, #tpu.memory_space<hbm>>
        tpu.wait_dma2 semaphore(%arg15 : memref<!tpu.dma_semaphore, #tpu.memory_space<semaphore_mem>>) src(%dma_wait3A_182 : memref<4000xf32, #tpu.memory_space<hbm>>) dst(%arg10 : memref<4000xf32, #tpu.memory_space<vmem>>)
        %dma_wait3A_183 = tpu.memref_slice %arg2[%add3A_177] : memref<51200000xf32, #tpu.memory_space<hbm>> -> memref<4000xf32, #tpu.memory_space<hbm>>
        %dma_wait3A_184 = tpu.memref_slice %arg2[%add3A_177] : memref<51200000xf32, #tpu.memory_space<hbm>> -> memref<4000xf32, #tpu.memory_space<hbm>>
        tpu.wait_dma2 semaphore(%arg15 : memref<!tpu.dma_semaphore, #tpu.memory_space<semaphore_mem>>) src(%dma_wait3A_184 : memref<4000xf32, #tpu.memory_space<hbm>>) dst(%arg11 : memref<4000xf32, #tpu.memory_space<vmem>>)
        %dma_wait3A_185 = tpu.memref_slice %arg3[%add3A_180] : memref<800000xi32, #tpu.memory_space<hbm>> -> memref<4000xi32, #tpu.memory_space<hbm>>
        %dma_wait3A_186 = tpu.memref_slice %arg3[%add3A_180] : memref<800000xi32, #tpu.memory_space<hbm>> -> memref<4000xi32, #tpu.memory_space<hbm>>
        tpu.wait_dma2 semaphore(%arg15 : memref<!tpu.dma_semaphore, #tpu.memory_space<semaphore_mem>>) src(%dma_wait3A_186 : memref<4000xi32, #tpu.memory_space<hbm>>) dst(%arg9 : memref<4000xi32, #tpu.memory_space<vmem>>)
        %parallel_loop3A_187 = arith.constant 0 : i32
        %parallel_loop3A_188 = arith.constant 250 : i32
        %parallel_loop3A_189 = arith.constant 1 : i32
        scf.for %parallel_loop3A_253 = %parallel_loop3A_187 to %parallel_loop3A_188 step %parallel_loop3A_189  : i32 {
          %parallel_loop3A_254 = arith.constant 16 : i32
          %parallel_loop3A_255 = arith.muli %parallel_loop3A_253, %parallel_loop3A_254 : i32
          %parallel_loop3A_256 = arith.index_cast %parallel_loop3A_255 : i32 to index
          %parallel_loop3A_257 = tpu.vector_load %arg9[%parallel_loop3A_256] {strides = array<i32>} : memref<4000xi32, #tpu.memory_space<vmem>>, vector<16xi32>,
          %parallel_loop3A_258 = arith.constant 16 : i32
          %parallel_loop3A_259 = arith.muli %parallel_loop3A_253, %parallel_loop3A_258 : i32
          %parallel_loop3A_260 = arith.index_cast %parallel_loop3A_259 : i32 to index
          %parallel_loop3A_261 = tpu.vector_load %arg10[%parallel_loop3A_260] {strides = array<i32>} : memref<4000xf32, #tpu.memory_space<vmem>>, vector<16xf32>,
          tpu.vector_store_idx %arg6[%parallel_loop3A_257], %parallel_loop3A_261 {add = true} : memref<32768xf32, #tpu.memory_space<vmem>>[vector<16xi32>], vector<16xf32>,
          %parallel_loop3A_262 = arith.constant 16 : i32
          %parallel_loop3A_263 = arith.muli %parallel_loop3A_253, %parallel_loop3A_262 : i32
          %parallel_loop3A_264 = arith.index_cast %parallel_loop3A_263 : i32 to index
          %parallel_loop3A_265 = tpu.vector_load %arg11[%parallel_loop3A_264] {strides = array<i32>} : memref<4000xf32, #tpu.memory_space<vmem>>, vector<16xf32>,
          tpu.vector_store_idx %arg7[%parallel_loop3A_257], %parallel_loop3A_265 {add = true} : memref<32768xf32, #tpu.memory_space<vmem>>[vector<16xi32>], vector<16xf32>,
        } {sc.loop_unroll_factor = 8 : i64, sc.parallel_access}
        %convert_element_type3A_190 = arith.extui %and3A_48 : i1 to i32
        %cond3A_191 = arith.constant 0 : i32
        %cond3A_192 = arith.cmpi ne, %convert_element_type3A_190, %cond3A_191 : i32
        scf.if %cond3A_192 {
          %parallel_loop3A_253 = arith.constant 0 : i32
          %parallel_loop3A_254 = arith.constant 250 : i32
          %parallel_loop3A_255 = arith.constant 1 : i32
          scf.for %parallel_loop3A_256 = %parallel_loop3A_253 to %parallel_loop3A_254 step %parallel_loop3A_255  : i32 {
            %parallel_loop3A_257 = arith.constant 16 : i32
            %parallel_loop3A_258 = arith.muli %parallel_loop3A_256, %parallel_loop3A_257 : i32
            %parallel_loop3A_259 = arith.index_cast %parallel_loop3A_258 : i32 to index
            %parallel_loop3A_260 = tpu.vector_load %arg9[%parallel_loop3A_259] {strides = array<i32>} : memref<4000xi32, #tpu.memory_space<vmem>>, vector<16xi32>,
            tpu.vector_store_idx %arg8[%parallel_loop3A_260], %broadcast_in_dim3A_0 {add = true} : memref<32768xf32, #tpu.memory_space<vmem>>[vector<16xi32>], vector<16xf32>,
          } {sc.loop_unroll_factor = 8 : i64, sc.parallel_access}
        } else {
        }
        %add3A_193 = arith.constant 2 : i32
        %add3A_194 = arith.addi %mul3A_134, %add3A_193 : i32
        %mul3A_195 = arith.constant 4000 : i32
        %mul3A_196 = arith.muli %add3A_194, %mul3A_195 : i32
        %mul3A_197 = arith.constant 64 : i32
        %mul3A_198 = arith.muli %add3A_39, %mul3A_197 : i32
        %add3A_199 = arith.addi %mul3A_198, %add3A_44 : i32
        %mul3A_200 = arith.constant 100000 : i32
        %mul3A_201 = arith.muli %add3A_199, %mul3A_200 : i32
        %add3A_202 = arith.addi %mul3A_201, %mul3A_196 : i32
        %mul3A_203 = arith.constant 64 : i32
        %mul3A_204 = arith.muli %add3A_39, %mul3A_203 : i32
        %add3A_205 = arith.addi %mul3A_204, %add3A_44 : i32
        %add3A_206 = arith.constant 1 : i32
        %add3A_207 = arith.addi %add3A_205, %add3A_206 : i32
        %mul3A_208 = arith.constant 100000 : i32
        %mul3A_209 = arith.muli %add3A_207, %mul3A_208 : i32
        %add3A_210 = arith.addi %mul3A_209, %mul3A_196 : i32
        %mul3A_211 = arith.constant 100000 : i32
        %mul3A_212 = arith.muli %add3A_39, %mul3A_211 : i32
        %add3A_213 = arith.addi %mul3A_212, %mul3A_196 : i32
        %dma_start3A_214 = tpu.memref_slice %arg2[%add3A_202] : memref<51200000xf32, #tpu.memory_space<hbm>> -> memref<4000xf32, #tpu.memory_space<hbm>>
        %dma_start3A_215 = tpu.memref_slice %arg2[%add3A_202] : memref<51200000xf32, #tpu.memory_space<hbm>> -> memref<4000xf32, #tpu.memory_space<hbm>>
        tpu.enqueue_dma source(%dma_start3A_215 : memref<4000xf32, #tpu.memory_space<hbm>>) target(%arg10 : memref<4000xf32, #tpu.memory_space<vmem>>) target_semaphore(%arg15 : memref<!tpu.dma_semaphore, #tpu.memory_space<semaphore_mem>>)
        %dma_start3A_216 = tpu.memref_slice %arg2[%add3A_210] : memref<51200000xf32, #tpu.memory_space<hbm>> -> memref<4000xf32, #tpu.memory_space<hbm>>
        %dma_start3A_217 = tpu.memref_slice %arg2[%add3A_210] : memref<51200000xf32, #tpu.memory_space<hbm>> -> memref<4000xf32, #tpu.memory_space<hbm>>
        tpu.enqueue_dma source(%dma_start3A_217 : memref<4000xf32, #tpu.memory_space<hbm>>) target(%arg11 : memref<4000xf32, #tpu.memory_space<vmem>>) target_semaphore(%arg15 : memref<!tpu.dma_semaphore, #tpu.memory_space<semaphore_mem>>)
        %dma_start3A_218 = tpu.memref_slice %arg3[%add3A_213] : memref<800000xi32, #tpu.memory_space<hbm>> -> memref<4000xi32, #tpu.memory_space<hbm>>
        %dma_start3A_219 = tpu.memref_slice %arg3[%add3A_213] : memref<800000xi32, #tpu.memory_space<hbm>> -> memref<4000xi32, #tpu.memory_space<hbm>>
        tpu.enqueue_dma source(%dma_start3A_219 : memref<4000xi32, #tpu.memory_space<hbm>>) target(%arg9 : memref<4000xi32, #tpu.memory_space<vmem>>) target_semaphore(%arg15 : memref<!tpu.dma_semaphore, #tpu.memory_space<semaphore_mem>>)
        %add3A_220 = arith.constant 1 : i32
        %add3A_221 = arith.addi %mul3A_134, %add3A_220 : i32
        %mul3A_222 = arith.constant 4000 : i32
        %mul3A_223 = arith.muli %add3A_221, %mul3A_222 : i32
        %mul3A_224 = arith.constant 64 : i32
        %mul3A_225 = arith.muli %add3A_39, %mul3A_224 : i32
        %add3A_226 = arith.addi %mul3A_225, %add3A_44 : i32
        %mul3A_227 = arith.constant 100000 : i32
        %mul3A_228 = arith.muli %add3A_226, %mul3A_227 : i32
        %add3A_229 = arith.addi %mul3A_228, %mul3A_223 : i32
        %mul3A_230 = arith.constant 64 : i32
        %mul3A_231 = arith.muli %add3A_39, %mul3A_230 : i32
        %add3A_232 = arith.addi %mul3A_231, %add3A_44 : i32
        %add3A_233 = arith.constant 1 : i32
        %add3A_234 = arith.addi %add3A_232, %add3A_233 : i32
        %mul3A_235 = arith.constant 100000 : i32
        %mul3A_236 = arith.muli %add3A_234, %mul3A_235 : i32
        %add3A_237 = arith.addi %mul3A_236, %mul3A_223 : i32
        %mul3A_238 = arith.constant 100000 : i32
        %mul3A_239 = arith.muli %add3A_39, %mul3A_238 : i32
        %add3A_240 = arith.addi %mul3A_239, %mul3A_223 : i32
        %dma_wait3A_241 = tpu.memref_slice %arg2[%add3A_229] : memref<51200000xf32, #tpu.memory_space<hbm>> -> memref<4000xf32, #tpu.memory_space<hbm>>
        %dma_wait3A_242 = tpu.memref_slice %arg2[%add3A_229] : memref<51200000xf32, #tpu.memory_space<hbm>> -> memref<4000xf32, #tpu.memory_space<hbm>>
        tpu.wait_dma2 semaphore(%arg16 : memref<!tpu.dma_semaphore, #tpu.memory_space<semaphore_mem>>) src(%dma_wait3A_242 : memref<4000xf32, #tpu.memory_space<hbm>>) dst(%arg13 : memref<4000xf32, #tpu.memory_space<vmem>>)
        %dma_wait3A_243 = tpu.memref_slice %arg2[%add3A_237] : memref<51200000xf32, #tpu.memory_space<hbm>> -> memref<4000xf32, #tpu.memory_space<hbm>>
        %dma_wait3A_244 = tpu.memref_slice %arg2[%add3A_237] : memref<51200000xf32, #tpu.memory_space<hbm>> -> memref<4000xf32, #tpu.memory_space<hbm>>
        tpu.wait_dma2 semaphore(%arg16 : memref<!tpu.dma_semaphore, #tpu.memory_space<semaphore_mem>>) src(%dma_wait3A_244 : memref<4000xf32, #tpu.memory_space<hbm>>) dst(%arg14 : memref<4000xf32, #tpu.memory_space<vmem>>)
        %dma_wait3A_245 = tpu.memref_slice %arg3[%add3A_240] : memref<800000xi32, #tpu.memory_space<hbm>> -> memref<4000xi32, #tpu.memory_space<hbm>>
        %dma_wait3A_246 = tpu.memref_slice %arg3[%add3A_240] : memref<800000xi32, #tpu.memory_space<hbm>> -> memref<4000xi32, #tpu.memory_space<hbm>>
        tpu.wait_dma2 semaphore(%arg16 : memref<!tpu.dma_semaphore, #tpu.memory_space<semaphore_mem>>) src(%dma_wait3A_246 : memref<4000xi32, #tpu.memory_space<hbm>>) dst(%arg12 : memref<4000xi32, #tpu.memory_space<vmem>>)
        %parallel_loop3A_247 = arith.constant 0 : i32
        %parallel_loop3A_248 = arith.constant 250 : i32
        %parallel_loop3A_249 = arith.constant 1 : i32
        scf.for %parallel_loop3A_253 = %parallel_loop3A_247 to %parallel_loop3A_248 step %parallel_loop3A_249  : i32 {
          %parallel_loop3A_254 = arith.constant 16 : i32
          %parallel_loop3A_255 = arith.muli %parallel_loop3A_253, %parallel_loop3A_254 : i32
          %parallel_loop3A_256 = arith.index_cast %parallel_loop3A_255 : i32 to index
          %parallel_loop3A_257 = tpu.vector_load %arg12[%parallel_loop3A_256] {strides = array<i32>} : memref<4000xi32, #tpu.memory_space<vmem>>, vector<16xi32>,
          %parallel_loop3A_258 = arith.constant 16 : i32
          %parallel_loop3A_259 = arith.muli %parallel_loop3A_253, %parallel_loop3A_258 : i32
          %parallel_loop3A_260 = arith.index_cast %parallel_loop3A_259 : i32 to index
          %parallel_loop3A_261 = tpu.vector_load %arg13[%parallel_loop3A_260] {strides = array<i32>} : memref<4000xf32, #tpu.memory_space<vmem>>, vector<16xf32>,
          tpu.vector_store_idx %arg6[%parallel_loop3A_257], %parallel_loop3A_261 {add = true} : memref<32768xf32, #tpu.memory_space<vmem>>[vector<16xi32>], vector<16xf32>,
          %parallel_loop3A_262 = arith.constant 16 : i32
          %parallel_loop3A_263 = arith.muli %parallel_loop3A_253, %parallel_loop3A_262 : i32
          %parallel_loop3A_264 = arith.index_cast %parallel_loop3A_263 : i32 to index
          %parallel_loop3A_265 = tpu.vector_load %arg14[%parallel_loop3A_264] {strides = array<i32>} : memref<4000xf32, #tpu.memory_space<vmem>>, vector<16xf32>,
          tpu.vector_store_idx %arg7[%parallel_loop3A_257], %parallel_loop3A_265 {add = true} : memref<32768xf32, #tpu.memory_space<vmem>>[vector<16xi32>], vector<16xf32>,
        } {sc.loop_unroll_factor = 8 : i64, sc.parallel_access}
        %convert_element_type3A_250 = arith.extui %and3A_48 : i1 to i32
        %cond3A_251 = arith.constant 0 : i32
        %cond3A_252 = arith.cmpi ne, %convert_element_type3A_250, %cond3A_251 : i32
        scf.if %cond3A_252 {
          %parallel_loop3A_253 = arith.constant 0 : i32
          %parallel_loop3A_254 = arith.constant 250 : i32
          %parallel_loop3A_255 = arith.constant 1 : i32
          scf.for %parallel_loop3A_256 = %parallel_loop3A_253 to %parallel_loop3A_254 step %parallel_loop3A_255  : i32 {
            %parallel_loop3A_257 = arith.constant 16 : i32
            %parallel_loop3A_258 = arith.muli %parallel_loop3A_256, %parallel_loop3A_257 : i32
            %parallel_loop3A_259 = arith.index_cast %parallel_loop3A_258 : i32 to index
            %parallel_loop3A_260 = tpu.vector_load %arg12[%parallel_loop3A_259] {strides = array<i32>} : memref<4000xi32, #tpu.memory_space<vmem>>, vector<16xi32>,
            tpu.vector_store_idx %arg8[%parallel_loop3A_260], %broadcast_in_dim3A_0 {add = true} : memref<32768xf32, #tpu.memory_space<vmem>>[vector<16xi32>], vector<16xf32>,
          } {sc.loop_unroll_factor = 8 : i64, sc.parallel_access}
        } else {
        }
      }
      %scan3A_86 = arith.constant 12 : i32
      %mul3A_87 = arith.constant 64 : i32
      %mul3A_88 = arith.muli %add3A_39, %mul3A_87 : i32
      %add3A_89 = arith.addi %mul3A_88, %add3A_44 : i32
      %mul3A_90 = arith.constant 100000 : i32
      %mul3A_91 = arith.muli %add3A_89, %mul3A_90 : i32
      %add3A_92 = arith.constant 96000 : i32
      %add3A_93 = arith.addi %mul3A_91, %add3A_92 : i32
      %mul3A_94 = arith.constant 64 : i32
      %mul3A_95 = arith.muli %add3A_39, %mul3A_94 : i32
      %add3A_96 = arith.addi %mul3A_95, %add3A_44 : i32
      %add3A_97 = arith.constant 1 : i32
      %add3A_98 = arith.addi %add3A_96, %add3A_97 : i32
      %mul3A_99 = arith.constant 100000 : i32
      %mul3A_100 = arith.muli %add3A_98, %mul3A_99 : i32
      %add3A_101 = arith.constant 96000 : i32
      %add3A_102 = arith.addi %mul3A_100, %add3A_101 : i32
      %mul3A_103 = arith.constant 100000 : i32
      %mul3A_104 = arith.muli %add3A_39, %mul3A_103 : i32
      %add3A_105 = arith.constant 96000 : i32
      %add3A_106 = arith.addi %mul3A_104, %add3A_105 : i32
      %dma_wait3A = tpu.memref_slice %arg2[%add3A_93] : memref<51200000xf32, #tpu.memory_space<hbm>> -> memref<4000xf32, #tpu.memory_space<hbm>>
      %dma_wait3A_107 = tpu.memref_slice %arg2[%add3A_93] : memref<51200000xf32, #tpu.memory_space<hbm>> -> memref<4000xf32, #tpu.memory_space<hbm>>
      tpu.wait_dma2 semaphore(%arg15 : memref<!tpu.dma_semaphore, #tpu.memory_space<semaphore_mem>>) src(%dma_wait3A_107 : memref<4000xf32, #tpu.memory_space<hbm>>) dst(%arg10 : memref<4000xf32, #tpu.memory_space<vmem>>)
      %dma_wait3A_108 = tpu.memref_slice %arg2[%add3A_102] : memref<51200000xf32, #tpu.memory_space<hbm>> -> memref<4000xf32, #tpu.memory_space<hbm>>
      %dma_wait3A_109 = tpu.memref_slice %arg2[%add3A_102] : memref<51200000xf32, #tpu.memory_space<hbm>> -> memref<4000xf32, #tpu.memory_space<hbm>>
      tpu.wait_dma2 semaphore(%arg15 : memref<!tpu.dma_semaphore, #tpu.memory_space<semaphore_mem>>) src(%dma_wait3A_109 : memref<4000xf32, #tpu.memory_space<hbm>>) dst(%arg11 : memref<4000xf32, #tpu.memory_space<vmem>>)
      %dma_wait3A_110 = tpu.memref_slice %arg3[%add3A_106] : memref<800000xi32, #tpu.memory_space<hbm>> -> memref<4000xi32, #tpu.memory_space<hbm>>
      %dma_wait3A_111 = tpu.memref_slice %arg3[%add3A_106] : memref<800000xi32, #tpu.memory_space<hbm>> -> memref<4000xi32, #tpu.memory_space<hbm>>
      tpu.wait_dma2 semaphore(%arg15 : memref<!tpu.dma_semaphore, #tpu.memory_space<semaphore_mem>>) src(%dma_wait3A_111 : memref<4000xi32, #tpu.memory_space<hbm>>) dst(%arg9 : memref<4000xi32, #tpu.memory_space<vmem>>)
      %parallel_loop3A = arith.constant 0 : i32
      %parallel_loop3A_112 = arith.constant 250 : i32
      %parallel_loop3A_113 = arith.constant 1 : i32
      scf.for %parallel_loop3A_132 = %parallel_loop3A to %parallel_loop3A_112 step %parallel_loop3A_113  : i32 {
        %parallel_loop3A_133 = arith.constant 16 : i32
        %parallel_loop3A_134 = arith.muli %parallel_loop3A_132, %parallel_loop3A_133 : i32
        %parallel_loop3A_135 = arith.index_cast %parallel_loop3A_134 : i32 to index
        %parallel_loop3A_136 = tpu.vector_load %arg9[%parallel_loop3A_135] {strides = array<i32>} : memref<4000xi32, #tpu.memory_space<vmem>>, vector<16xi32>,
        %parallel_loop3A_137 = arith.constant 16 : i32
        %parallel_loop3A_138 = arith.muli %parallel_loop3A_132, %parallel_loop3A_137 : i32
        %parallel_loop3A_139 = arith.index_cast %parallel_loop3A_138 : i32 to index
        %parallel_loop3A_140 = tpu.vector_load %arg10[%parallel_loop3A_139] {strides = array<i32>} : memref<4000xf32, #tpu.memory_space<vmem>>, vector<16xf32>,
        tpu.vector_store_idx %arg6[%parallel_loop3A_136], %parallel_loop3A_140 {add = true} : memref<32768xf32, #tpu.memory_space<vmem>>[vector<16xi32>], vector<16xf32>,
        %parallel_loop3A_141 = arith.constant 16 : i32
        %parallel_loop3A_142 = arith.muli %parallel_loop3A_132, %parallel_loop3A_141 : i32
        %parallel_loop3A_143 = arith.index_cast %parallel_loop3A_142 : i32 to index
        %parallel_loop3A_144 = tpu.vector_load %arg11[%parallel_loop3A_143] {strides = array<i32>} : memref<4000xf32, #tpu.memory_space<vmem>>, vector<16xf32>,
        tpu.vector_store_idx %arg7[%parallel_loop3A_136], %parallel_loop3A_144 {add = true} : memref<32768xf32, #tpu.memory_space<vmem>>[vector<16xi32>], vector<16xf32>,
      } {sc.loop_unroll_factor = 8 : i64, sc.parallel_access}
      %convert_element_type3A_114 = arith.extui %and3A_48 : i1 to i32
      %cond3A_115 = arith.constant 0 : i32
      %cond3A_116 = arith.cmpi ne, %convert_element_type3A_114, %cond3A_115 : i32
      scf.if %cond3A_116 {
        %parallel_loop3A_132 = arith.constant 0 : i32
        %parallel_loop3A_133 = arith.constant 250 : i32
        %parallel_loop3A_134 = arith.constant 1 : i32
        scf.for %parallel_loop3A_135 = %parallel_loop3A_132 to %parallel_loop3A_133 step %parallel_loop3A_134  : i32 {
          %parallel_loop3A_136 = arith.constant 16 : i32
          %parallel_loop3A_137 = arith.muli %parallel_loop3A_135, %parallel_loop3A_136 : i32
          %parallel_loop3A_138 = arith.index_cast %parallel_loop3A_137 : i32 to index
          %parallel_loop3A_139 = tpu.vector_load %arg9[%parallel_loop3A_138] {strides = array<i32>} : memref<4000xi32, #tpu.memory_space<vmem>>, vector<16xi32>,
          tpu.vector_store_idx %arg8[%parallel_loop3A_139], %broadcast_in_dim3A_0 {add = true} : memref<32768xf32, #tpu.memory_space<vmem>>[vector<16xi32>], vector<16xf32>,
        } {sc.loop_unroll_factor = 8 : i64, sc.parallel_access}
      } else {
      }
      %mul3A_117 = arith.constant 64 : i32
      %mul3A_118 = arith.muli %add3A_39, %mul3A_117 : i32
      %add3A_119 = arith.addi %mul3A_118, %add3A_44 : i32
      %mul3A_120 = arith.constant 32768 : i32
      %mul3A_121 = arith.muli %add3A_119, %mul3A_120 : i32
      "tpu.region"() ({
        %run_scoped3A = tpu.sem_alloc : memref<!tpu.dma_semaphore, #tpu.memory_space<semaphore_mem>>
        %dma_start3A_132 = tpu.memref_slice %arg4[%mul3A_121] : memref<16777216xf32, #tpu.memory_space<hbm>> -> memref<32768xf32, #tpu.memory_space<hbm>>
        %dma_start3A_133 = tpu.memref_slice %arg4[%mul3A_121] : memref<16777216xf32, #tpu.memory_space<hbm>> -> memref<32768xf32, #tpu.memory_space<hbm>>
        tpu.enqueue_dma source(%arg6 : memref<32768xf32, #tpu.memory_space<vmem>>) target(%dma_start3A_133 : memref<32768xf32, #tpu.memory_space<hbm>>) target_semaphore(%run_scoped3A : memref<!tpu.dma_semaphore, #tpu.memory_space<semaphore_mem>>)
        %dma_wait3A_134 = tpu.memref_slice %arg4[%mul3A_121] : memref<16777216xf32, #tpu.memory_space<hbm>> -> memref<32768xf32, #tpu.memory_space<hbm>>
        %dma_wait3A_135 = tpu.memref_slice %arg4[%mul3A_121] : memref<16777216xf32, #tpu.memory_space<hbm>> -> memref<32768xf32, #tpu.memory_space<hbm>>
        tpu.wait_dma2 semaphore(%run_scoped3A : memref<!tpu.dma_semaphore, #tpu.memory_space<semaphore_mem>>) src(%arg6 : memref<32768xf32, #tpu.memory_space<vmem>>) dst(%dma_wait3A_135 : memref<32768xf32, #tpu.memory_space<hbm>>)
        tpu.yield
      }) : () -> ()
      %mul3A_122 = arith.constant 64 : i32
      %mul3A_123 = arith.muli %add3A_39, %mul3A_122 : i32
      %add3A_124 = arith.addi %mul3A_123, %add3A_44 : i32
      %add3A_125 = arith.constant 1 : i32
      %add3A_126 = arith.addi %add3A_124, %add3A_125 : i32
      %mul3A_127 = arith.constant 32768 : i32
      %mul3A_128 = arith.muli %add3A_126, %mul3A_127 : i32
      "tpu.region"() ({
        %run_scoped3A = tpu.sem_alloc : memref<!tpu.dma_semaphore, #tpu.memory_space<semaphore_mem>>
        %dma_start3A_132 = tpu.memref_slice %arg4[%mul3A_128] : memref<16777216xf32, #tpu.memory_space<hbm>> -> memref<32768xf32, #tpu.memory_space<hbm>>
        %dma_start3A_133 = tpu.memref_slice %arg4[%mul3A_128] : memref<16777216xf32, #tpu.memory_space<hbm>> -> memref<32768xf32, #tpu.memory_space<hbm>>
        tpu.enqueue_dma source(%arg7 : memref<32768xf32, #tpu.memory_space<vmem>>) target(%dma_start3A_133 : memref<32768xf32, #tpu.memory_space<hbm>>) target_semaphore(%run_scoped3A : memref<!tpu.dma_semaphore, #tpu.memory_space<semaphore_mem>>)
        %dma_wait3A_134 = tpu.memref_slice %arg4[%mul3A_128] : memref<16777216xf32, #tpu.memory_space<hbm>> -> memref<32768xf32, #tpu.memory_space<hbm>>
        %dma_wait3A_135 = tpu.memref_slice %arg4[%mul3A_128] : memref<16777216xf32, #tpu.memory_space<hbm>> -> memref<32768xf32, #tpu.memory_space<hbm>>
        tpu.wait_dma2 semaphore(%run_scoped3A : memref<!tpu.dma_semaphore, #tpu.memory_space<semaphore_mem>>) src(%arg7 : memref<32768xf32, #tpu.memory_space<vmem>>) dst(%dma_wait3A_135 : memref<32768xf32, #tpu.memory_space<hbm>>)
        tpu.yield
      }) : () -> ()
      %convert_element_type3A_129 = arith.extui %and3A_48 : i1 to i32
      %cond3A_130 = arith.constant 0 : i32
      %cond3A_131 = arith.cmpi ne, %convert_element_type3A_129, %cond3A_130 : i32
      scf.if %cond3A_131 {
        %mul3A_132 = arith.constant 32768 : i32
        %mul3A_133 = arith.muli %add3A_39, %mul3A_132 : i32
        "tpu.region"() ({
          %run_scoped3A = tpu.sem_alloc : memref<!tpu.dma_semaphore, #tpu.memory_space<semaphore_mem>>
          %dma_start3A_134 = tpu.memref_slice %arg5[%mul3A_133] : memref<262144xf32, #tpu.memory_space<hbm>> -> memref<32768xf32, #tpu.memory_space<hbm>>
          %dma_start3A_135 = tpu.memref_slice %arg5[%mul3A_133] : memref<262144xf32, #tpu.memory_space<hbm>> -> memref<32768xf32, #tpu.memory_space<hbm>>
          tpu.enqueue_dma source(%arg8 : memref<32768xf32, #tpu.memory_space<vmem>>) target(%dma_start3A_135 : memref<32768xf32, #tpu.memory_space<hbm>>) target_semaphore(%run_scoped3A : memref<!tpu.dma_semaphore, #tpu.memory_space<semaphore_mem>>)
          %dma_wait3A_136 = tpu.memref_slice %arg5[%mul3A_133] : memref<262144xf32, #tpu.memory_space<hbm>> -> memref<32768xf32, #tpu.memory_space<hbm>>
          %dma_wait3A_137 = tpu.memref_slice %arg5[%mul3A_133] : memref<262144xf32, #tpu.memory_space<hbm>> -> memref<32768xf32, #tpu.memory_space<hbm>>
          tpu.wait_dma2 semaphore(%run_scoped3A : memref<!tpu.dma_semaphore, #tpu.memory_space<semaphore_mem>>) src(%arg8 : memref<32768xf32, #tpu.memory_space<vmem>>) dst(%dma_wait3A_137 : memref<32768xf32, #tpu.memory_space<hbm>>)
          tpu.yield
        }) : () -> ()
      } else {
      }
    }
    %scan3A_7 = arith.constant 8 : i32
    return
  }
}

module attributes {stable_mosaic.version = 14 : i64} {
  func.func @_coords_body(%arg0: i32, %arg1: memref<1x3x100000xf32, #tpu.memory_space<vmem>>, %arg2: memref<1x3x100000xf32, #tpu.memory_space<vmem>>, %arg3: memref<1x1x100000xi32, #tpu.memory_space<vmem>>) attributes {dimension_semantics = [#tpu.dimension_semantics<arbitrary>], iteration_bounds = array<i64: 8>, scalar_prefetch = 0 : i64, scratch_operands = 0 : i64, tpu.core_type = #tpu.core_type<tc>, window_params = [{transform_indices = @transform_0, window_bounds = array<i64: 1, 3, 100000>}, {transform_indices = @transform_1, window_bounds = array<i64: 1, 3, 100000>}, {transform_indices = @transform_2, window_bounds = array<i64: 1, 1, 100000>}]} {
    %get3A = arith.constant 0 : index
    %get3A_0 = arith.constant 0 : index
    %get3A_1 = arith.constant 0 : index
    %get3A_2 = vector.load %arg1[%get3A, %get3A_0, %get3A_1] : memref<1x3x100000xf32, #tpu.memory_space<vmem>>, vector<1x3x100000xf32>
    %get3A_3 = vector.shape_cast %get3A_2 : vector<1x3x100000xf32> to vector<3x100000xf32>
    %reduce_sum3A = arith.constant dense<0.000000e+00> : vector<3xf32>
    %reduce_sum3A_4 = vector.multi_reduction <add>, %get3A_3, %reduce_sum3A [1] : vector<3x100000xf32> to vector<3xf32>
    %broadcast_in_dim3A = vector.shape_cast %reduce_sum3A_4 : vector<3xf32> to vector<3x1xf32>
    %div3A = arith.constant 1.000000e+05 : f32
    %div3A_5 = vector.broadcast %div3A : f32 to vector<3x1xf32>
    %div3A_6 = arith.divf %broadcast_in_dim3A, %div3A_5 : vector<3x1xf32>
    %sub3A = vector.broadcast %div3A_6 : vector<3x1xf32> to vector<3x100000xf32>
    %sub3A_7 = arith.subf %get3A_3, %sub3A : vector<3x100000xf32>
    %mul3A = arith.mulf %sub3A_7, %sub3A_7 : vector<3x100000xf32>
    %reduce_sum3A_8 = arith.constant dense<0.000000e+00> : vector<100000xf32>
    %reduce_sum3A_9 = vector.multi_reduction <add>, %mul3A, %reduce_sum3A_8 [0] : vector<3x100000xf32> to vector<100000xf32>
    %broadcast_in_dim3A_10 = vector.shape_cast %reduce_sum3A_9 : vector<100000xf32> to vector<1x100000xf32>
    %reduce_max3A = vector.shape_cast %broadcast_in_dim3A_10 : vector<1x100000xf32> to vector<1x1x100000xf32>
    %reduce_max3A_11 = arith.constant dense<0xFF800000> : vector<1xf32>
    %reduce_max3A_12 = vector.multi_reduction <maximumf>, %reduce_max3A, %reduce_max3A_11 [1, 2] : vector<1x1x100000xf32> to vector<1xf32>
    %reduce_max3A_13 = vector.shape_cast %reduce_max3A_12 : vector<1xf32> to vector<1x1x1xf32>
    %reduce_max3A_14 = vector.extract %reduce_max3A_13[0, 0, 0] : f32 from vector<1x1x1xf32>
    %sqrt3A = math.sqrt %reduce_max3A_14 : f32
    %mul3A_15 = arith.constant 2.000000e+00 : f32
    %mul3A_16 = arith.mulf %sqrt3A, %mul3A_15 : f32
    %div3A_17 = vector.broadcast %mul3A_16 : f32 to vector<3x100000xf32>
    %div3A_18 = arith.divf %sub3A_7, %div3A_17 : vector<3x100000xf32>
    %add3A = arith.constant 5.000000e-01 : f32
    %add3A_19 = vector.broadcast %add3A : f32 to vector<3x100000xf32>
    %add3A_20 = arith.addf %div3A_18, %add3A_19 : vector<3x100000xf32>
    %mul3A_21 = arith.constant 3.200000e+01 : f32
    %mul3A_22 = vector.broadcast %mul3A_21 : f32 to vector<3x100000xf32>
    %mul3A_23 = arith.mulf %add3A_20, %mul3A_22 : vector<3x100000xf32>
    %jit3A = arith.constant 0.000000e+00 : f32
    %jit3A_24 = arith.constant 3.100000e+01 : f32
    %max3A = vector.broadcast %jit3A : f32 to vector<3x100000xf32>
    %max3A_25 = arith.maximumf %max3A, %mul3A_23 : vector<3x100000xf32>
    %min3A = vector.broadcast %jit3A_24 : f32 to vector<3x100000xf32>
    %min3A_26 = arith.minimumf %min3A, %max3A_25 : vector<3x100000xf32>
    %swap3A = arith.constant 0 : index
    %swap3A_27 = arith.constant 0 : index
    %swap3A_28 = arith.constant 0 : index
    %swap3A_29 = vector.load %arg2[%swap3A, %swap3A_27, %swap3A_28] : memref<1x3x100000xf32, #tpu.memory_space<vmem>>, vector<1x3x100000xf32>
    %swap3A_30 = vector.shape_cast %swap3A_29 : vector<1x3x100000xf32> to vector<3x100000xf32>
    %swap3A_31 = vector.shape_cast %min3A_26 : vector<3x100000xf32> to vector<1x3x100000xf32>
    tpu.vector_store %arg2[%swap3A, %swap3A_27, %swap3A_28], %swap3A_31 {strides = array<i32>} : memref<1x3x100000xf32, #tpu.memory_space<vmem>>, vector<1x3x100000xf32>,
    %round3A = math.roundeven %min3A_26 : vector<3x100000xf32>
    %convert_element_type3A = arith.fptosi %round3A : vector<3x100000xf32> to vector<3x100000xi32>
    %slice3A = vector.extract_strided_slice %convert_element_type3A {offsets = [0, 0], sizes = [1, 100000], strides = [1, 1]} : vector<3x100000xi32> to vector<1x100000xi32>
    %mul3A_32 = arith.constant 1024 : i32
    %mul3A_33 = vector.broadcast %mul3A_32 : i32 to vector<1x100000xi32>
    %mul3A_34 = arith.muli %slice3A, %mul3A_33 : vector<1x100000xi32>
    %slice3A_35 = vector.extract_strided_slice %convert_element_type3A {offsets = [1, 0], sizes = [1, 100000], strides = [1, 1]} : vector<3x100000xi32> to vector<1x100000xi32>
    %mul3A_36 = arith.constant 32 : i32
    %mul3A_37 = vector.broadcast %mul3A_36 : i32 to vector<1x100000xi32>
    %mul3A_38 = arith.muli %slice3A_35, %mul3A_37 : vector<1x100000xi32>
    %add3A_39 = arith.addi %mul3A_34, %mul3A_38 : vector<1x100000xi32>
    %slice3A_40 = vector.extract_strided_slice %convert_element_type3A {offsets = [2, 0], sizes = [1, 100000], strides = [1, 1]} : vector<3x100000xi32> to vector<1x100000xi32>
    %add3A_41 = arith.addi %add3A_39, %slice3A_40 : vector<1x100000xi32>
    %swap3A_42 = arith.constant 0 : index
    %swap3A_43 = arith.constant 0 : index
    %swap3A_44 = arith.constant 0 : index
    %swap3A_45 = vector.load %arg3[%swap3A_42, %swap3A_43, %swap3A_44] : memref<1x1x100000xi32, #tpu.memory_space<vmem>>, vector<1x1x100000xi32>
    %swap3A_46 = vector.shape_cast %swap3A_45 : vector<1x1x100000xi32> to vector<1x100000xi32>
    %swap3A_47 = vector.shape_cast %add3A_41 : vector<1x100000xi32> to vector<1x1x100000xi32>
    tpu.vector_store %arg3[%swap3A_42, %swap3A_43, %swap3A_44], %swap3A_47 {strides = array<i32>} : memref<1x1x100000xi32, #tpu.memory_space<vmem>>, vector<1x1x100000xi32>,
    return
  }
  func.func @transform_0(%arg0: i32) -> (i32, i32, i32) {
    %c0_i32 = arith.constant 0 : i32
    %c0_i32_0 = arith.constant 0 : i32
    %c0_i32_1 = arith.constant 0 : i32
    return %arg0, %c0_i32, %c0_i32_0 : i32, i32, i32
  }
  func.func @transform_1(%arg0: i32) -> (i32, i32, i32) {
    %c0_i32 = arith.constant 0 : i32
    %c0_i32_0 = arith.constant 0 : i32
    %c0_i32_1 = arith.constant 0 : i32
    return %arg0, %c0_i32, %c0_i32_0 : i32, i32, i32
  }
  func.func @transform_2(%arg0: i32) -> (i32, i32, i32) {
    %c0_i32 = arith.constant 0 : i32
    %c0_i32_0 = arith.constant 0 : i32
    %c0_i32_1 = arith.constant 0 : i32
    return %arg0, %c0_i32, %c0_i32_0 : i32, i32, i32
  }
}

module attributes {stable_mosaic.version = 14 : i64} {
  func.func @_div_body(%arg0: i32, %arg1: i32, %arg2: memref<524288xf32, #tpu.memory_space<vmem>>, %arg3: memref<32768xf32, #tpu.memory_space<vmem>>, %arg4: memref<1x16x32768xf32, #tpu.memory_space<vmem>>) attributes {dimension_semantics = [#tpu.dimension_semantics<arbitrary>, #tpu.dimension_semantics<arbitrary>], iteration_bounds = array<i64: 8, 4>, scalar_prefetch = 0 : i64, scratch_operands = 0 : i64, tpu.core_type = #tpu.core_type<tc>, window_params = [{transform_indices = @transform_0, window_bounds = array<i64: 524288>}, {transform_indices = @transform_1, window_bounds = array<i64: 32768>}, {transform_indices = @transform_2, window_bounds = array<i64: 1, 16, 32768>}]} {
    %get3A = arith.constant 0 : index
    %get3A_0 = vector.load %arg2[%get3A] : memref<524288xf32, #tpu.memory_space<vmem>>, vector<524288xf32>
    %reshape3A = vector.shape_cast %get3A_0 : vector<524288xf32> to vector<16x32768xf32>
    %get3A_1 = arith.constant 0 : index
    %get3A_2 = vector.load %arg3[%get3A_1] : memref<32768xf32, #tpu.memory_space<vmem>>, vector<32768xf32>
    %reshape3A_3 = vector.shape_cast %get3A_2 : vector<32768xf32> to vector<1x32768xf32>
    %max3A = arith.constant 1.000000e+00 : f32
    %max3A_4 = vector.broadcast %max3A : f32 to vector<1x32768xf32>
    %max3A_5 = arith.maximumf %reshape3A_3, %max3A_4 : vector<1x32768xf32>
    %div3A = vector.broadcast %max3A_5 : vector<1x32768xf32> to vector<16x32768xf32>
    %div3A_6 = arith.divf %reshape3A, %div3A : vector<16x32768xf32>
    %swap3A = arith.constant 0 : index
    %swap3A_7 = arith.constant 0 : index
    %swap3A_8 = arith.constant 0 : index
    %swap3A_9 = vector.load %arg4[%swap3A, %swap3A_7, %swap3A_8] : memref<1x16x32768xf32, #tpu.memory_space<vmem>>, vector<1x16x32768xf32>
    %swap3A_10 = vector.shape_cast %swap3A_9 : vector<1x16x32768xf32> to vector<16x32768xf32>
    %swap3A_11 = vector.shape_cast %div3A_6 : vector<16x32768xf32> to vector<1x16x32768xf32>
    tpu.vector_store %arg4[%swap3A, %swap3A_7, %swap3A_8], %swap3A_11 {strides = array<i32>} : memref<1x16x32768xf32, #tpu.memory_space<vmem>>, vector<1x16x32768xf32>,
    return
  }
  func.func @transform_0(%arg0: i32, %arg1: i32) -> i32 {
    %mul3A = arith.constant 4 : i32
    %mul3A_0 = arith.muli %arg0, %mul3A : i32
    %add3A = arith.addi %mul3A_0, %arg1 : i32
    %c0_i32 = arith.constant 0 : i32
    return %add3A : i32
  }
  func.func @transform_1(%arg0: i32, %arg1: i32) -> i32 {
    %c0_i32 = arith.constant 0 : i32
    return %arg0 : i32
  }
  func.func @transform_2(%arg0: i32, %arg1: i32) -> (i32, i32, i32) {
    %c0_i32 = arith.constant 0 : i32
    %c0_i32_0 = arith.constant 0 : i32
    return %arg0, %arg1, %c0_i32 : i32, i32, i32
  }
}

</mosaic_0001>

<sc_bundles>
// kernel: kernel.5.cloned.1.call-start
scs
__scs_entry_jumppad:
0x0: {  	(pc) =	sbr.rel $0x88, $3  }
0x1: {  	(tag) =	ssettag $0x0;
	lr =	simm.s32 $0x1  }
0x2: {  	[smem:$0x3F9F] =	sst lr;
	_ =	strace $0xD0000000  }
0x3: {  	_ = 	snop  }
0x4: {  	_ = 	snop  }
0x5: {  	_ = 	snop  }
0x6: {  	_ = 	snop  }
0x7: {  	_ = 	snop  }
__scs_overlays_trampoline_lowered:
0x8: {  	[smem:$0x3FAE] =	sst s0  }
0x9: {  	[smem:$0x3FAF] =	sst s1  }
0xa: {  	[smem:$0x3FB0] =	sst s2  }
0xb: {  	[smem:$0x3FB1] =	sst s3  }
0xc: {  	[smem:$0x3FB2] =	sst s4  }
0xd: {  	[smem:$0x3FB3] =	sst s5  }
0xe: {  	[smem:$0x3FB4] =	sst s6  }
0xf: {  	[smem:$0x3FB5] =	sst s7  }
0x10: {  	[smem:$0x3FB6] =	sst s8  }
0x11: {  	[smem:$0x3FB7] =	sst s9;
	s0 =	simm.s32 @!p0 $0x0  }
0x12: {  	s1 =	sld [smem:$0x3F9D];
	s0 =	simm.s32 @p0 $0x1  }
0x13: {  	[smem:$0x3FB8] =	sst s0;
	s0 =	simm.s32 @!p1 $0x0  }
0x14: {  	s2 =	sld [smem:$0x3F9C];
	s0 =	simm.s32 @p1 $0x1  }
0x15: {  	[smem:$0x3FB9] =	sst s0;
	s0 =	simm.s32 @!p2 $0x0  }
0x16: {  	s3 =	sld [smem:$0x3FDB];
	s0 =	simm.s32 @p2 $0x1  }
0x17: {  	s4 =	simm.s32 $0x1BF5;
	[smem:$0x3FBB] =	sst s0  }
0x18: {  	s0 =	sld [smem:$0x3F9E];
	_ =	swait.ge [sflag:s4], $0x0  }
0x19: {  	s7 =	sld [smem:$0x3F9F]  }
0x1a: {  	s8 =	sadd.s32 $0xFFFFE003, lr  }
0x1b: {  	s9 =	sadd.s32 $0xFFFFFEF7, lr;
	s5 =	simm.s32 $0xFFFFFFFF;
	p2 =	slt.u32 s8, $0xFFFFF086  }
0x1c: {  	p1 =	slt.u32 s9, $0xF7A;
	s5 =	simm.s32 @!p2 $0x0  }
0x1d: {  	s5 =	simm.s32 @p1 $0x1;
	p0 =	seq.s32 s7, s2  }
0x1e: {  	s7 =	smul.u32 @!p0 $0xF7A, s2;
	p2 =	seq.s32 @!p0 s5, $0x0  }
0x1f: {  	s9 =	smul.u32 $0xF7A, s1;
	s8 =	simm.s32 @!p0 $0x1BF5;
	p2 =	por !p2, p0  }
0x20: {  	[sflag:s8] =	ssyncset.s32 @!p0 $0xFFFFF086;
	s6 =	sadd.s32 @!p0 s3, s7;
	s7 =	simm.s32 @!p0 $0x108  }
0x21: {  	s3 =	sadd.s32 s3, s9;
	s6 =	sadd.s32 @!p0 $0x88, s6;
	s7 =	simm.s32 @p2 $0x1082  }
0x22: {  	[simem:s7], [sflag:s8] =	dma.local @!p0 [hbm:s6], $0xF7A  }
0x23: {  	s9 =	sor.u32 $0xD0000000, s2;
	s6 =	simm.s32 $0x108;
	_ =	swait.ge @!p0 [sflag:s8], $0x0  }
0x24: {  	s3 =	sadd.s32 $0x88, s3;
	s6 =	simm.s32 @!p1 $0x1082;
	[sflag:s4] =	ssyncset.s32 $0xFFFFF086  }
0x25: {  	[simem:s6], [sflag:s4] =	dma.local [hbm:s3], $0xF7A  }
0x26: {  	[smem:$0x3F9F] =	sst s1;
	(tag) =	ssettag s2;
	_ =	strace s9  }
0x27: {  	s1 =	sld [smem:$0x3FAF]  }
0x28: {  	s2 =	sld [smem:$0x3FB0]  }
0x29: {  	s4 =	sld [smem:$0x3FB2]  }
0x2a: {  	p0 =	seq.s32 s5, $0x0;
	s5 =	sld [smem:$0x3FB3]  }
0x2b: {  	s6 =	sld [smem:$0x3FB4]  }
0x2c: {  	s7 =	sld [smem:$0x3FB5]  }
0x2d: {  	s3 =	simm.s32 $0x108;
	s8 =	sld [smem:$0x3FB6]  }
0x2e: {  	s3 =	simm.s32 @!p0 $0x1082;
	s9 =	sld [smem:$0x3FB7]  }
0x2f: {  	lr =	sadd.s32 s0, s3;
	s0 =	sld [smem:$0x3FAE]  }
0x30: {  	s3 =	sld [smem:$0x3FB1]  }
0x31: {  	[smem:$0x3FBA] =	sst s10  }
0x32: {  	s10 =	sld [smem:$0x3FB8];
	_ =	sdelay $0x3  }
0x33: {  	p0 =	seq.s32 s10, $0x1;
	s10 =	sld [smem:$0x3FBA];
	_ =	sdelay $0x3  }
0x34: {  	[smem:$0x3FBA] =	sst s10  }
0x35: {  	s10 =	sld [smem:$0x3FB9];
	_ =	sdelay $0x3  }
0x36: {  	p1 =	seq.s32 s10, $0x1;
	s10 =	sld [smem:$0x3FBA];
	_ =	sdelay $0x3  }
0x37: {  	[smem:$0x3FBA] =	sst s10  }
0x38: {  	s10 =	sld [smem:$0x3FBB]  }
0x39: {  	_ = 	snop;
	(pc) =	sbr.ind lr, $3  }
0x3a: {  	_ = 	snop  }
0x3b: {  	_ = 	snop  }
0x3c: {  	p2 =	seq.s32 s10, $0x1;
	s10 =	sld [smem:$0x3FBA]  }
0x3d: {  	_ =	shalt  }
0x3e: {  	_ =	shalt  }
0x3f: {  	_ =	shalt  }
0x40: {  	_ =	shalt  }
0x41: {  	_ =	shalt  }
0x42: {  	_ =	shalt  }
0x43: {  	_ =	shalt  }
0x44: {  	_ =	shalt  }
0x45: {  	_ =	shalt  }
0x46: {  	_ =	shalt  }
0x47: {  	_ =	shalt  }
0x48: {  	_ =	shalt  }
0x49: {  	_ =	shalt  }
0x4a: {  	_ =	shalt  }
0x4b: {  	_ =	shalt  }
0x4c: {  	_ =	shalt  }
0x4d: {  	_ =	shalt  }
0x4e: {  	_ =	shalt  }
0x4f: {  	_ =	shalt  }
0x50: {  	_ =	shalt  }
0x51: {  	_ =	shalt  }
0x52: {  	_ =	shalt  }
0x53: {  	_ =	shalt  }
0x54: {  	_ =	shalt  }
0x55: {  	_ =	shalt  }
0x56: {  	_ =	shalt  }
0x57: {  	_ =	shalt  }
0x58: {  	_ =	shalt  }
0x59: {  	_ =	shalt  }
0x5a: {  	_ =	shalt  }
0x5b: {  	_ =	shalt  }
0x5c: {  	_ =	shalt  }
0x5d: {  	_ =	shalt  }
0x5e: {  	_ =	shalt  }
0x5f: {  	_ =	shalt  }
0x60: {  	_ =	shalt  }
0x61: {  	_ =	shalt  }
0x62: {  	_ =	shalt  }
0x63: {  	_ =	shalt  }
0x64: {  	_ =	shalt  }
0x65: {  	_ =	shalt  }
0x66: {  	_ =	shalt  }
0x67: {  	_ =	shalt  }
0x68: {  	_ =	shalt  }
0x69: {  	_ =	shalt  }
0x6a: {  	_ =	shalt  }
0x6b: {  	_ =	shalt  }
0x6c: {  	_ =	shalt  }
0x6d: {  	_ =	shalt  }
0x6e: {  	_ =	shalt  }
0x6f: {  	_ =	shalt  }
0x70: {  	_ =	shalt  }
0x71: {  	_ =	shalt  }
0x72: {  	_ =	shalt  }
0x73: {  	_ =	shalt  }
0x74: {  	_ =	shalt  }
0x75: {  	_ =	shalt  }
0x76: {  	_ =	shalt  }
0x77: {  	_ =	shalt  }
0x78: {  	_ =	shalt  }
0x79: {  	_ =	shalt  }
0x7a: {  	_ =	shalt  }
0x7b: {  	_ =	shalt  }
0x7c: {  	_ =	shalt  }
0x7d: {  	_ =	shalt  }
0x7e: {  	_ =	shalt  }
0x7f: {  	_ =	shalt  }
0x80: {  	_ =	shalt  }
0x81: {  	_ =	shalt  }
0x82: {  	_ =	shalt  }
0x83: {  	_ =	shalt  }
0x84: {  	_ =	shalt  }
0x85: {  	_ =	shalt  }
0x86: {  	_ =	shalt  }
0x87: {  	_ =	shalt  }
.Lfunc_end0:
.L_simem_size_0:
called_computation_lowered:
.L_overlay_start_0:
0x88: {  	s2 =	sld [smem:$0x3FD9]  }
0x89: {  	s3 =	sld [smem:$0x3FFE];
	_ =	sdelay $0x1  }
0x8a: {  	s1 =	srdreg.scid  }
0x8b: {  	s0 =	sand.u32 $0x1, s1  }
0x8c: {  	s14 =	sshll.u32 s0, $0xA;
	s2 =	sadd.s32 s3, s2  }
0x8d: {  	s2 =	sadd.s32 s2, s14  }
0x8e: {  	[smem:$0x3FC6] =	sst s2  }
0x8f: {  	_ = 	snop  }
0x90: {  	s2 =	sld [smem:$0x3FD0];
	_ =	sdelay $0x2  }
0x91: {  	s15 =	simm.s32 $0xA;
	s4 =	simm.s32 $0x10  }
0x92: {  	[smem:s4], [sflag:s15] =	dma.local [hbm:s2], $0x1  }
0x93: {  	_ =	swait.eq [sflag:s15], $0x1  }
0x94: {  	[sflag:s15] =	ssyncset.done $0x0  }
0x95: {  	[sflag:s15] =	ssyncadd.s32 $0xFFFFFFFF  }
0x96: {  	s16 =	sld [smem:$0x10];
	(tm) =	ssettm $0x1  }
0x97: {  	s17 =	sld [smem:$0x3FFB];
	_ =	sdelay $0x3  }
0x98: {  	_ =	strace s17  }
0x99: {  	s3 =	sld [smem:$0x3FFC];
	_ =	sdelay $0x3  }
0x9a: {  	_ =	strace s3  }
0x9b: {  	s3 =	sld [smem:$0x3FFD];
	_ =	sdelay $0x3  }
0x9c: {  	_ =	strace s3  }
0x9d: {  	_ =	strace $0x8FFFFFFF  }
0x9e: {  	s18 =	sld [smem:$0x3FDB];
	_ =	sdelay $0x1  }
0x9f: {  	s19 =	simm.s32 $_scs_section_size  }
0xa0: {  	s5 =	simm.s32 $_size__tile_overlayer_lowered;
	s6 =	simm.s32 $_tile_overlayer_lowered  }
0xa1: {  	s22 =	simm.s32 $0x1BFF;
	s21 =	sshll.u32 s6, $0x1;
	s3 =	sadd.s32 s19, s18  }
0xa2: {  	s7 =	simm.s32 $0x0;
	s20 =	sshll.u32 s5, $0x1;
	s5 =	sadd.s32 s21, s3  }
0xa3: {  	[timem:s7], [sflag:s22] =	dma.local [hbm:s5], s20  }
0xa4: {  	_ =	swait.ge [sflag:s22], s20  }
0xa5: {  	s4 =	ssub.s32 $0x0, s20;
	[sflag:s22] =	ssyncset.done $0x0  }
0xa6: {  	[sflag:s22] =	ssyncadd.s32 s4;
	_ =	sdelay $0x1  }
0xa7: {  	s23 =	simm.s32 $0x1B8B  }
0xa8: {  	_ =	swait.ge [sflag:s23], $0x1  }
0xa9: {  	[sflag:s23] =	ssyncset.done $0x0  }
0xaa: {  	s25 =	simm.s32 $0x1B8E;
	s24 =	sld [smem:$0x3FFE];
	[sflag:s23] =	ssyncadd.s32 $0xFFFFFFFF  }
0xab: {  	s26 =	simm.s32 $execute0_lowered;
	[smem:$0x3FD2] =	sst s25  }
0xac: {  	s5 =	sshll.u32 s26, $0x1;
	_ =	strace $0x80000046;
	[dreg:$0x1] =	wrdreg $0xFFFFFFFF  }
0xad: {  	s28 =	simm.s32 $_size_execute0_lowered;
	s3 =	sadd.s32 s3, s5;
	[dreg:$0x0] =	wrdreg $0x0  }
0xae: {  	s5 =	sshll.u32 s28, $0x1;
	[dreg:$0x2] =	wrdreg s3  }
0xaf: {  	[dreg:$0x3] =	wrdreg s5  }
0xb0: {  	[dreg:$0x4] =	wrdreg $0xC0  }
0xb1: {  	_ =	task [dreg:s7], $0x5FFFF  }
0xb2: {  	[dreg:$0x1] =	wrdreg $0xFFFFFFFF  }
0xb3: {  	[dreg:$0x0] =	wrdreg $0x60  }
0xb4: {  	[dreg:$0x2] =	wrdreg s24  }
0xb5: {  	[dreg:$0x3] =	wrdreg s16  }
0xb6: {  	[dreg:$0x4] =	wrdreg $0x9  }
0xb7: {  	_ =	task.clear_ibuf [dreg:s7], $0x5FFFF;
	_ =	strace $0x90000046  }
0xb8: {  	s29 =	simm.s32 $0x9;
	_ =	strace $0x80000048  }
0xb9: {  	_ =	swait.ge [sflag:s29], $0x1  }
0xba: {  	[sflag:s29] =	ssyncadd.s32 $0xFFFFFFFF  }
0xbb: {  	_ =	strace $0x90000048  }
0xbc: {  	_ =	sfence  }
0xbd: {  	s30 =	sld [smem:$0x0];
	_ =	sdelay $0x2  }
0xbe: {  	s31 =	sshll.u32 s1, $0xD;
	s1 =	sshrl.u32 s1, $0x2  }
0xbf: {  	s3 =	sand.u32 $0x4000, s31;
	s1 =	sadd.s32 s1, s30  }
0xc0: {  	s0 =	sor.u32 s3, s0;
	s1 =	sshll.u32 s1, $0x11  }
0xc1: {  	s0 =	sor.u32 s1, s0  }
0xc2: {  	s0 =	sadd.s32 $0x8F2B, s0  }
0xc3: {  	[sflag:s0] =	ssyncadd.remote.s32 $0x1  }
0xc4: {  	_ =	sfence.sel $0xFFFF  }
0xc5: {  	[dreg:$0x0] =	wrdreg $0xFFFFFFFF;
	(pc) =	sbr.abs _section_cstart, $3  }
0xc6: {  	[dreg:$0x1] =	wrdreg $0xFFFFFFFF  }
0xc7: {  	_ =	task.clear_ibuf [dreg:s7], $0x2FFFF;
	_ =	strace $0x9FFFFFFF  }
0xc8: {  	(tm) =	ssettm $0x7FFFFFFF  }
0xc9: {  	_ =	shalt  }
tec
execute0_lowered:
.L_overlay_start_1:
0x0: {  	(tag) =	ssettag $0x1  }
0x1: {  	s0 =	rddreg [dreg:$0x0];
	s2 =	simm.s32 $0x0  }
0x2: {  	s1 =	srdreg.scid;
	s8 =	stileid.u32;
	s10 =	simm.s32 $0x19000  }
0x3: {  	s11 =	simm.s32 $0x1A000;
	s12 =	simm.s32 $0x18000;
	s13 =	simm.s32 $0x1C000  }
0x4: {  	s14 =	simm.s32 $0x1D000;
	s15 =	simm.s32 $0x1B000;
	s16 =	simm.s32 $0x1  }
0x5: {  	s17 =	simm.s32 $0x8000;
	s18 =	simm.s32 $0x10000;
	s19 =	simm.s32 $0x2  }
0x6: {  	s20 =	simm.s32 $0x4;
	s30 =	simm.s32 $0x0;
	s1 =	sand.u32 $0x1, s1  }
.Ltmp0:
0x7: {  	[smem:$0x7FF] =	sst s2;
	s3 =	ssub.s32 $0x2, s1;
	(pc) =	sbr.rel .LBB2_1-.Ltmp0, $4  }
0x8: {  	s4 =	sadd.s32 $0x7B000, s0;
	s5 =	sadd.s32 $0x62800, s0;
	s6 =	sshrl.u32 s3, $0x1  }
0x9: {  	s0 =	sadd.s32 $0x695800, s0;
	s8 =	sshll.u32 s8, $0x2;
	s31 =	ssub.s32 s3, s6  }
0xa: {  	_ =	strace $0x80000047;
	[dreg:$0x3] =	wrdreg s0;
	s0 =	smax.u32 s31, $0x1  }
0xb: {  	v0 =	vimm.f32 $0.0e+00;
	v1 =	vimm.f32 $1.000000000e+00;
	s7 =	sshll.u32 s1, $0x2;
	s1 =	simm.s32 $0x0;
	[dreg:$0x4] =	wrdreg s0  }
.LBB2_35:
0xc: {  	s1 =	rddreg [dreg:$0x5]  }
0xd: {  	s0 =	rddreg [dreg:$0x4];
	s1 =	sadd.s32 $0x1, s1  }
0xe: {  	p0 =	sne.s32 s1, s0  }
.Ltmp1:
0xf: {  	_ = 	snop;
	(pc) =	sbr.rel @!p0 .LBB2_36-.Ltmp1, $1  }
0x10: {  	_ =	sdelay $0x3  }
.LBB2_1:
.Ltmp2:
0x11: {  	(pc) =	sbr.rel .LBB2_2-.Ltmp2, $2  }
0x12: {  	_ =	sdelay $0x2  }
0x13: {  	[dreg:$0x5] =	wrdreg s1;
	s22 =	simm.s32 $0x0  }
.LBB2_34:
0x14: {  	s0 =	sshll.u32 s25, $0xC  }
0x15: {  	s1 =	rddreg [dreg:$0x1];
	s0 =	sand.u32 $0x1FFFE000, s0  }
0x16: {  	s0 =	sadd.s32 s1, s0  }
0x17: {  	[hbm4b:s0+s2] =	stream.linear.scatter [tilespmem:s2], [sflag:$0x4], $0x8000, $0x38;
	[tilespmem:$0x1E000] =	vst v63  }
0x18: {  	s31 =	sshll.u32 s24, $0xC;
	_ =	swait.ge [sflag:s20], $0x8000  }
0x19: {  	s0 =	sand.u32 $0x1FFFF000, s31;
	[sflag:s20] =	ssyncset.done $0x0  }
0x1a: {  	s22 =	sadd.s32 $0x1, s22;
	s0 =	sadd.s32 s1, s0;
	[sflag:s20] =	ssyncadd.s32 $0xFFFF8000  }
0x1b: {  	[hbm4b:s0+s2] =	stream.linear.scatter [tilespmem:s17], [sflag:$0x4], $0x8000, $0x38;
	[tilespmem:$0x1E000] =	vst v63  }
0x1c: {  	s3 =	simm.s32 @p0 $0x10000;
	p1 =	sne.s32 s22, $0x8;
	_ =	swait.ge [sflag:s20], $0x8000  }
0x1d: {  	s0 =	sshll.u32 @p0 s23, $0xC;
	[sflag:s20] =	ssyncset.done $0x0;
	s1 =	rddreg [dreg:$0x3]  }
0x1e: {  	[sflag:s20] =	ssyncadd.s32 $0xFFFF8000;
	s0 =	sadd.s32 @p0 s1, s0;
	s1 =	simm.s32 @p0 $0x0  }
0x1f: {  	[hbm4b:s0+s1] =	stream.linear.scatter @p0 [tilespmem:s3], [sflag:$0x3], $0x8000, $0x38;
	[tilespmem:$0x1E000] =	vst v63  }
.Ltmp3:
0x20: {  	_ = 	snop;
	(pc) =	sbr.rel @!p1 .LBB2_35-.Ltmp3, $4  }
0x21: {  	s0 =	simm.s32 @p0 $0x3  }
0x22: {  	_ =	swait.ge @p0 [sflag:s0], $0x8000  }
0x23: {  	[sflag:s0] =	ssyncset.done @p0 $0x0  }
0x24: {  	[sflag:s0] =	ssyncadd.s32 @p0 $0xFFFF8000  }
.LBB2_2:
0x25: {  	s0 =	sshrl.u32 s22, $0x1;
	s1 =	sand.u32 $0x1, s22  }
0x26: {  	s23 =	sadd.s32 s7, s0;
	s3 =	sshll.u32 s1, $0x1  }
0x27: {  	s3 =	sor.u32 s8, s3;
	s6 =	sshll.u32 s23, $0x6  }
0x28: {  	s25 =	sor.u32 s3, s6  }
0x29: {  	s26 =	smul.u32 $0x186A0, s25;
	s24 =	sor.u32 $0x1, s25  }
0x2a: {  	s28 =	smul.u32 $0x186A0, s24  }
0x2b: {  	s6 =	sshrl.u32 s26, $0x3  }
0x2c: {  	s29 =	smul.u32 $0x186A0, s23;
	s3 =	sadd.s32 s4, s6;
	s9 =	sshrl.u32 s28, $0x3  }
0x2d: {  	[tilespmem:s10], [sflag:$0x1] =	stream.linear.gather [hbm4b:s3+s2], $0xFA0, $0x38;
	[tilespmem:$0x1E000] =	vst v63  }
0x2e: {  	s21 =	sshrl.u32 s29, $0x3;
	s3 =	sadd.s32 s4, s9  }
0x2f: {  	[tilespmem:s11], [sflag:$0x1] =	stream.linear.gather [hbm4b:s3+s2], $0xFA0, $0x38;
	[tilespmem:$0x1E000] =	vst v63  }
0x30: {  	s31 =	simm.s32 $0x20;
	s3 =	sadd.s32 s5, s21  }
0x31: {  	[tilespmem:s12], [sflag:$0x1] =	stream.linear.gather [hbm4b:s3+s2], $0xFA0, $0x38;
	[tilespmem:$0x1E000] =	vst v63  }
0x32: {  	s3 =	simm.s32 $0x8020;
	[tilespmem:s31+$0xFFFFFFE0] =	vst v0  }
0x33: {  	[tilespmem:s3+$0xFFFFFFE0] =	vst v0  }
0x34: {  	[tilespmem:s31+$0xFFFFFFF0] =	vst v0  }
0x35: {  	[tilespmem:s3+$0xFFFFFFF0] =	vst v0  }
0x36: {  	[tilespmem:s31+$0x0] =	vst v0  }
0x37: {  	[tilespmem:s3+$0x0] =	vst v0  }
0x38: {  	[tilespmem:s31+$0x10] =	vst v0  }
0x39: {  	s6 =	simm.s32 $0x0;
	s9 =	simm.s32 $0x60;
	[tilespmem:s3+$0x10] =	vst v0  }
.LBB2_3:
0x3a: {  	[tilespmem:s9+$0xFFFFFFE0] =	vst v0;
	s3 =	sadd.s32 $0x40, s3  }
0x3b: {  	s6 =	sadd.s32 $0x4, s6;
	[tilespmem:s3+$0xFFFFFFE0] =	vst v0  }
0x3c: {  	p0 =	slt.u32 s6, $0x7FC;
	[tilespmem:s9+$0xFFFFFFF0] =	vst v0  }
.Ltmp4:
0x3d: {  	[tilespmem:s3+$0xFFFFFFF0] =	vst v0;
	(pc) =	sbr.rel @p0 .LBB2_3-.Ltmp4, $4  }
0x3e: {  	[tilespmem:s9+$0x0] =	vst v0  }
0x3f: {  	[tilespmem:s3+$0x0] =	vst v0  }
0x40: {  	[tilespmem:s9+$0x10] =	vst v0  }
0x41: {  	s9 =	sadd.s32 $0x40, s9;
	[tilespmem:s3+$0x10] =	vst v0  }
0x42: {  	s3 =	stileid.u32  }
0x43: {  	p1 =	seq.s32 s1, $0x0;
	p0 =	seq.s32 s3, s0  }
0x44: {  	p0 =	por !p0, !p1  }
0x45: {  	p0 =	por !p0, !p0  }
.Ltmp5:
0x46: {  	_ = 	snop;
	(pc) =	sbr.rel @!p0 .LBB2_8-.Ltmp5, $1  }
0x47: {  	_ =	sdelay $0x3  }
0x48: {  	s0 =	simm.s32 $0x10020  }
0x49: {  	[tilespmem:s0+$0xFFFFFFE0] =	vst v0  }
0x4a: {  	[tilespmem:s0+$0x10] =	vst v0  }
0x4b: {  	s1 =	simm.s32 $0x0;
	[tilespmem:s0+$0x0] =	vst v0  }
.LBB2_6:
0x4c: {  	s1 =	sadd.s32 $0x4, s1  }
0x4d: {  	[tilespmem:s0+$0xFFFFFFF0] =	vst v0;
	s0 =	sadd.s32 $0x40, s0;
	p1 =	slt.u32 s1, $0x7FC  }
.Ltmp6:
0x4e: {  	[tilespmem:s0+$0xFFFFFFE0] =	vst v0;
	(pc) =	sbr.rel @p1 .LBB2_6-.Ltmp6, $3  }
0x4f: {  	_ =	sdelay $0x1  }
0x50: {  	[tilespmem:s0+$0x10] =	vst v0  }
0x51: {  	[tilespmem:s0+$0x0] =	vst v0  }
0x52: {  	[tilespmem:s0+$0xFFFFFFF0] =	vst v0  }
.LBB2_8:
.Ltmp7:
0x53: {  	(pc) =	sbr.rel .LBB2_9-.Ltmp7, $2  }
0x54: {  	_ =	sdelay $0x2  }
0x55: {  	s31 =	simm.s32 $0x0  }
.LBB2_25:
0x56: {  	s31 =	sadd.s32 $0x1, s31  }
0x57: {  	p1 =	sne.s32 s31, $0xC  }
.Ltmp8:
0x58: {  	_ = 	snop;
	(pc) =	sbr.rel @!p1 .LBB2_26-.Ltmp8, $1  }
0x59: {  	_ =	sdelay $0x3  }
.LBB2_9:
0x5a: {  	s0 =	smul.u32 $0x1F40, s31;
	_ =	sdelay $0x1  }
0x5b: {  	s1 =	sadd.s32 $0xFA0, s0  }
0x5c: {  	s3 =	sadd.s32 s26, s1  }
0x5d: {  	s6 =	sadd.s32 s28, s1;
	s3 =	sshrl.u32 s3, $0x3  }
0x5e: {  	s1 =	sadd.s32 s29, s1;
	s21 =	sshrl.u32 s6, $0x3;
	s3 =	sadd.s32 s4, s3  }
0x5f: {  	[tilespmem:s13], [sflag:$0x2] =	stream.linear.gather [hbm4b:s3+s2], $0xFA0, $0x38;
	[tilespmem:$0x1E000] =	vst v63  }
0x60: {  	s1 =	sshrl.u32 s1, $0x3;
	s3 =	sadd.s32 s4, s21  }
0x61: {  	[tilespmem:s14], [sflag:$0x2] =	stream.linear.gather [hbm4b:s3+s2], $0xFA0, $0x38;
	[tilespmem:$0x1E000] =	vst v63  }
0x62: {  	s1 =	sadd.s32 s5, s1  }
0x63: {  	[tilespmem:s15], [sflag:$0x2] =	stream.linear.gather [hbm4b:s1+s2], $0xFA0, $0x38;
	[tilespmem:$0x1E000] =	vst v63  }
0x64: {  	_ =	swait.ge [sflag:s16], $0xFA0  }
0x65: {  	[sflag:s16] =	ssyncset.done $0x0  }
0x66: {  	[sflag:s16] =	ssyncadd.s32 $0xFFFFF060  }
0x67: {  	_ =	swait.ge [sflag:s16], $0xFA0  }
0x68: {  	[sflag:s16] =	ssyncset.done $0x0  }
0x69: {  	[sflag:s16] =	ssyncadd.s32 $0xFFFFF060  }
0x6a: {  	_ =	swait.ge [sflag:s16], $0xFA0  }
0x6b: {  	[sflag:s16] =	ssyncset.done $0x0  }
0x6c: {  	s6 =	simm.s32 $0x18040;
	[sflag:s16] =	ssyncadd.s32 $0xFFFFF060  }
0x6d: {  	v2 =	vld [tilespmem:s6+$0x30]  }
0x6e: {  	v3 =	vld [tilespmem:s6+$0xFFFFFFD0]  }
0x6f: {  	s9 =	simm.s32 $0x19040;
	v4 =	vld [tilespmem:s6+$0xFFFFFFE0]  }
0x70: {  	v5 =	vld [tilespmem:s9+$0x30]  }
0x71: {  	v6 =	vld [tilespmem:s6+$0xFFFFFFF0]  }
0x72: {  	v7 =	vld [tilespmem:s6+$0x0]  }
0x73: {  	v8 =	vld [tilespmem:s6+$0x10]  }
0x74: {  	v9 =	vld [tilespmem:s6+$0x20]  }
0x75: {  	v10 =	vld [tilespmem:s6+$0xFFFFFFC0]  }
0x76: {  	v11 =	vld [tilespmem:s9+$0xFFFFFFC0]  }
0x77: {  	v12 =	vld [tilespmem:s9+$0xFFFFFFD0]  }
0x78: {  	v13 =	vld [tilespmem:s9+$0xFFFFFFE0]  }
0x79: {  	v59 =	vld [tilespmem:s9+$0x0]  }
0x7a: {  	v14 =	vld [tilespmem:s9+$0x10]  }
0x7b: {  	v15 =	vld [tilespmem:s9+$0x20]  }
0x7c: {  	[tilespmem:v2+s30+$0x0] =	vst.idx.add.f32.msk $0xffff, v5  }
0x7d: {  	[tilespmem:v10+s30+$0x0] =	vst.idx.add.f32.msk $0xffff, v11  }
0x7e: {  	[tilespmem:v3+s30+$0x0] =	vst.idx.add.f32.msk $0xffff, v12  }
0x7f: {  	[tilespmem:v4+s30+$0x0] =	vst.idx.add.f32.msk $0xffff, v13  }
0x80: {  	[tilespmem:v7+s30+$0x0] =	vst.idx.add.f32.msk $0xffff, v59  }
0x81: {  	s21 =	simm.s32 $0x1A040;
	[tilespmem:v8+s30+$0x0] =	vst.idx.add.f32.msk $0xffff, v14  }
0x82: {  	v5 =	vld [tilespmem:s21+$0x30]  }
0x83: {  	[tilespmem:v9+s30+$0x0] =	vst.idx.add.f32.msk $0xffff, v15  }
0x84: {  	v60 =	vld [tilespmem:s21+$0xFFFFFFD0]  }
0x85: {  	v61 =	vld [tilespmem:s21+$0xFFFFFFE0]  }
0x86: {  	v63 =	vld [tilespmem:s21+$0x0]  }
0x87: {  	[tilespmem:v2+s17+$0x0] =	vst.idx.add.f32.msk $0xffff, v5  }
0x88: {  	v2 =	vld [tilespmem:s9+$0xFFFFFFF0]  }
0x89: {  	v14 =	vld [tilespmem:s21+$0x10]  }
0x8a: {  	v15 =	vld [tilespmem:s21+$0x20]  }
0x8b: {  	[tilespmem:v3+s17+$0x0] =	vst.idx.add.f32.msk $0xffff, v60  }
0x8c: {  	[tilespmem:v4+s17+$0x0] =	vst.idx.add.f32.msk $0xffff, v61  }
0x8d: {  	[tilespmem:v6+s30+$0x0] =	vst.idx.add.f32.msk $0xffff, v2  }
0x8e: {  	v2 =	vld [tilespmem:s21+$0xFFFFFFC0]  }
0x8f: {  	v62 =	vld [tilespmem:s21+$0xFFFFFFF0]  }
0x90: {  	[tilespmem:v7+s17+$0x0] =	vst.idx.add.f32.msk $0xffff, v63  }
0x91: {  	[tilespmem:v8+s17+$0x0] =	vst.idx.add.f32.msk $0xffff, v14  }
0x92: {  	[tilespmem:v9+s17+$0x0] =	vst.idx.add.f32.msk $0xffff, v15  }
0x93: {  	[tilespmem:v10+s17+$0x0] =	vst.idx.add.f32.msk $0xffff, v2  }
0x94: {  	s3 =	simm.s32 $0x0;
	s1 =	simm.s32 $0x180C0;
	[tilespmem:v6+s17+$0x0] =	vst.idx.add.f32.msk $0xffff, v62  }
.LBB2_10:
0x95: {  	v2 =	vld [tilespmem:s1+$0x30];
	s3 =	sadd.s32 $0x8, s3  }
0x96: {  	v3 =	vld [tilespmem:s1+$0xFFFFFFD0];
	p1 =	slt.u32 s3, $0xF0  }
0x97: {  	s9 =	sadd.s32 $0x80, s9;
	v4 =	vld [tilespmem:s1+$0xFFFFFFE0]  }
0x98: {  	v5 =	vld [tilespmem:s9+$0x30]  }
0x99: {  	v6 =	vld [tilespmem:s1+$0xFFFFFFF0]  }
0x9a: {  	v7 =	vld [tilespmem:s1+$0x0]  }
0x9b: {  	v8 =	vld [tilespmem:s1+$0x10]  }
0x9c: {  	s6 =	simm.s32 $0x0;
	v9 =	vld [tilespmem:s1+$0x20]  }
0x9d: {  	s21 =	sadd.s32 $0x80, s21;
	[tilespmem:v2+s6+$0x0] =	vst.idx.add.f32.msk $0xffff, v5  }
0x9e: {  	v5 =	vld [tilespmem:s21+$0x30]  }
0x9f: {  	v10 =	vld [tilespmem:s1+$0xFFFFFFC0]  }
0xa0: {  	v11 =	vld [tilespmem:s9+$0xFFFFFFC0]  }
0xa1: {  	v12 =	vld [tilespmem:s9+$0xFFFFFFD0]  }
0xa2: {  	v13 =	vld [tilespmem:s9+$0xFFFFFFE0]  }
0xa3: {  	[tilespmem:v2+s17+$0x0] =	vst.idx.add.f32.msk $0xffff, v5  }
0xa4: {  	v2 =	vld [tilespmem:s9+$0xFFFFFFF0]  }
0xa5: {  	v5 =	vld [tilespmem:s9+$0x0]  }
0xa6: {  	v14 =	vld [tilespmem:s9+$0x10]  }
0xa7: {  	v15 =	vld [tilespmem:s9+$0x20]  }
0xa8: {  	[tilespmem:v10+s6+$0x0] =	vst.idx.add.f32.msk $0xffff, v11  }
0xa9: {  	[tilespmem:v3+s6+$0x0] =	vst.idx.add.f32.msk $0xffff, v12  }
0xaa: {  	[tilespmem:v4+s6+$0x0] =	vst.idx.add.f32.msk $0xffff, v13  }
0xab: {  	[tilespmem:v6+s6+$0x0] =	vst.idx.add.f32.msk $0xffff, v2  }
0xac: {  	[tilespmem:v7+s6+$0x0] =	vst.idx.add.f32.msk $0xffff, v5  }
0xad: {  	[tilespmem:v8+s6+$0x0] =	vst.idx.add.f32.msk $0xffff, v14  }
0xae: {  	[tilespmem:v9+s6+$0x0] =	vst.idx.add.f32.msk $0xffff, v15  }
0xaf: {  	v2 =	vld [tilespmem:s21+$0xFFFFFFC0]  }
0xb0: {  	v5 =	vld [tilespmem:s21+$0xFFFFFFD0]  }
0xb1: {  	v11 =	vld [tilespmem:s21+$0xFFFFFFE0]  }
0xb2: {  	v12 =	vld [tilespmem:s21+$0xFFFFFFF0]  }
0xb3: {  	v13 =	vld [tilespmem:s21+$0x0]  }
0xb4: {  	v14 =	vld [tilespmem:s21+$0x10]  }
0xb5: {  	v15 =	vld [tilespmem:s21+$0x20]  }
0xb6: {  	[tilespmem:v10+s17+$0x0] =	vst.idx.add.f32.msk $0xffff, v2  }
0xb7: {  	[tilespmem:v3+s17+$0x0] =	vst.idx.add.f32.msk $0xffff, v5  }
.Ltmp9:
0xb8: {  	[tilespmem:v4+s17+$0x0] =	vst.idx.add.f32.msk $0xffff, v11;
	(pc) =	sbr.rel @p1 .LBB2_10-.Ltmp9, $4  }
0xb9: {  	[tilespmem:v6+s17+$0x0] =	vst.idx.add.f32.msk $0xffff, v12  }
0xba: {  	[tilespmem:v7+s17+$0x0] =	vst.idx.add.f32.msk $0xffff, v13  }
0xbb: {  	[tilespmem:v8+s17+$0x0] =	vst.idx.add.f32.msk $0xffff, v14  }
0xbc: {  	s1 =	sadd.s32 $0x80, s1;
	[tilespmem:v9+s17+$0x0] =	vst.idx.add.f32.msk $0xffff, v15  }
.LBB2_11:
0xbd: {  	s1 =	sshra.s32 s6, $0x2  }
0xbe: {  	v2 =	vld [tilespmem:s1+$0x18F80];
	_ =	sdelay $0x2  }
0xbf: {  	v3 =	vld [tilespmem:s1+$0x19F80];
	_ =	sdelay $0x4  }
0xc0: {  	[tilespmem:v2+s2+$0x0] =	vst.idx.add.f32.msk $0xffff, v3  }
0xc1: {  	p1 =	sne.s32 s6, $0x40;
	v3 =	vld [tilespmem:s1+$0x1AF80]  }
.Ltmp10:
0xc2: {  	_ = 	snop;
	(pc) =	sbr.rel @p1 .LBB2_11-.Ltmp10, $2  }
0xc3: {  	_ =	sdelay $0x2  }
0xc4: {  	s6 =	sadd.s32 $0x40, s6;
	[tilespmem:v2+s17+$0x0] =	vst.idx.add.f32.msk $0xffff, v3  }
.Ltmp11:
0xc5: {  	(pc) =	sbr.rel @!p0 .LBB2_17-.Ltmp11, $1  }
0xc6: {  	_ =	sdelay $0x3  }
0xc7: {  	s1 =	simm.s32 $0x18040  }
0xc8: {  	v3 =	vld [tilespmem:s1+$0xFFFFFFC0]  }
0xc9: {  	v4 =	vld [tilespmem:s1+$0x30]  }
0xca: {  	v5 =	vld [tilespmem:s1+$0x20]  }
0xcb: {  	v6 =	vld [tilespmem:s1+$0x10]  }
0xcc: {  	v7 =	vld [tilespmem:s1+$0x0]  }
0xcd: {  	v8 =	vld [tilespmem:s1+$0xFFFFFFF0]  }
0xce: {  	v9 =	vld [tilespmem:s1+$0xFFFFFFE0]  }
0xcf: {  	v2 =	vld [tilespmem:s1+$0xFFFFFFD0]  }
0xd0: {  	[tilespmem:v3+s18+$0x0] =	vst.idx.add.f32.msk $0xffff, v1  }
0xd1: {  	[tilespmem:v4+s18+$0x0] =	vst.idx.add.f32.msk $0xffff, v1  }
0xd2: {  	[tilespmem:v5+s18+$0x0] =	vst.idx.add.f32.msk $0xffff, v1  }
0xd3: {  	[tilespmem:v6+s18+$0x0] =	vst.idx.add.f32.msk $0xffff, v1  }
0xd4: {  	[tilespmem:v7+s18+$0x0] =	vst.idx.add.f32.msk $0xffff, v1  }
0xd5: {  	[tilespmem:v8+s18+$0x0] =	vst.idx.add.f32.msk $0xffff, v1  }
0xd6: {  	s3 =	simm.s32 $0x0;
	[tilespmem:v9+s18+$0x0] =	vst.idx.add.f32.msk $0xffff, v1  }
.LBB2_14:
0xd7: {  	s3 =	sadd.s32 $0x8, s3;
	[tilespmem:v2+s18+$0x0] =	vst.idx.add.f32.msk $0xffff, v1;
	s1 =	sadd.s32 $0x80, s1  }
0xd8: {  	v3 =	vld [tilespmem:s1+$0xFFFFFFC0];
	p1 =	slt.u32 s3, $0xF0  }
0xd9: {  	v4 =	vld [tilespmem:s1+$0x30]  }
0xda: {  	v5 =	vld [tilespmem:s1+$0x20]  }
0xdb: {  	v6 =	vld [tilespmem:s1+$0x10]  }
0xdc: {  	v7 =	vld [tilespmem:s1+$0x0]  }
0xdd: {  	v8 =	vld [tilespmem:s1+$0xFFFFFFF0]  }
0xde: {  	v9 =	vld [tilespmem:s1+$0xFFFFFFE0]  }
0xdf: {  	v2 =	vld [tilespmem:s1+$0xFFFFFFD0]  }
0xe0: {  	[tilespmem:v3+s18+$0x0] =	vst.idx.add.f32.msk $0xffff, v1  }
0xe1: {  	[tilespmem:v4+s18+$0x0] =	vst.idx.add.f32.msk $0xffff, v1  }
.Ltmp12:
0xe2: {  	[tilespmem:v5+s18+$0x0] =	vst.idx.add.f32.msk $0xffff, v1;
	(pc) =	sbr.rel @p1 .LBB2_14-.Ltmp12, $4  }
0xe3: {  	[tilespmem:v6+s18+$0x0] =	vst.idx.add.f32.msk $0xffff, v1  }
0xe4: {  	[tilespmem:v7+s18+$0x0] =	vst.idx.add.f32.msk $0xffff, v1  }
0xe5: {  	[tilespmem:v8+s18+$0x0] =	vst.idx.add.f32.msk $0xffff, v1  }
0xe6: {  	[tilespmem:v9+s18+$0x0] =	vst.idx.add.f32.msk $0xffff, v1  }
0xe7: {  	_ =	sdelay $0x3  }
0xe8: {  	[tilespmem:v2+s18+$0x0] =	vst.idx.add.f32.msk $0xffff, v1;
	s1 =	simm.s32 $0x0  }
.LBB2_16:
0xe9: {  	s3 =	sshra.s32 s1, $0x2  }
0xea: {  	v2 =	vld [tilespmem:s3+$0x18F80];
	_ =	sdelay $0x2  }
0xeb: {  	p1 =	sne.s32 s1, $0x40  }
.Ltmp13:
0xec: {  	_ = 	snop;
	(pc) =	sbr.rel @p1 .LBB2_16-.Ltmp13, $2  }
0xed: {  	_ =	sdelay $0x2  }
0xee: {  	s1 =	sadd.s32 $0x40, s1;
	[tilespmem:v2+s18+$0x0] =	vst.idx.add.f32.msk $0xffff, v1  }
.LBB2_17:
0xef: {  	s0 =	sadd.s32 $0x1F40, s0  }
0xf0: {  	s1 =	sadd.s32 s26, s0  }
0xf1: {  	s3 =	sadd.s32 s28, s0;
	s1 =	sshrl.u32 s1, $0x3  }
0xf2: {  	s0 =	sadd.s32 s29, s0;
	s3 =	sshrl.u32 s3, $0x3;
	s1 =	sadd.s32 s4, s1  }
0xf3: {  	[tilespmem:s10], [sflag:$0x1] =	stream.linear.gather [hbm4b:s1+s2], $0xFA0, $0x38;
	[tilespmem:$0x1E000] =	vst v63  }
0xf4: {  	s0 =	sshrl.u32 s0, $0x3;
	s1 =	sadd.s32 s4, s3  }
0xf5: {  	[tilespmem:s11], [sflag:$0x1] =	stream.linear.gather [hbm4b:s1+s2], $0xFA0, $0x38;
	[tilespmem:$0x1E000] =	vst v63  }
0xf6: {  	s0 =	sadd.s32 s5, s0  }
0xf7: {  	[tilespmem:s12], [sflag:$0x1] =	stream.linear.gather [hbm4b:s0+s2], $0xFA0, $0x38;
	[tilespmem:$0x1E000] =	vst v63  }
0xf8: {  	_ =	swait.ge [sflag:s19], $0xFA0  }
0xf9: {  	[sflag:s19] =	ssyncset.done $0x0  }
0xfa: {  	[sflag:s19] =	ssyncadd.s32 $0xFFFFF060  }
0xfb: {  	_ =	swait.ge [sflag:s19], $0xFA0  }
0xfc: {  	[sflag:s19] =	ssyncset.done $0x0  }
0xfd: {  	[sflag:s19] =	ssyncadd.s32 $0xFFFFF060  }
0xfe: {  	_ =	swait.ge [sflag:s19], $0xFA0  }
0xff: {  	[sflag:s19] =	ssyncset.done $0x0  }
0x100: {  	s6 =	simm.s32 $0x1B040;
	[sflag:s19] =	ssyncadd.s32 $0xFFFFF060  }
0x101: {  	v2 =	vld [tilespmem:s6+$0x30]  }
0x102: {  	v3 =	vld [tilespmem:s6+$0xFFFFFFD0]  }
0x103: {  	s9 =	simm.s32 $0x1C040;
	v4 =	vld [tilespmem:s6+$0xFFFFFFE0]  }
0x104: {  	v5 =	vld [tilespmem:s9+$0x30]  }
0x105: {  	v6 =	vld [tilespmem:s6+$0xFFFFFFF0]  }
0x106: {  	v7 =	vld [tilespmem:s6+$0x0]  }
0x107: {  	v8 =	vld [tilespmem:s6+$0x10]  }
0x108: {  	v9 =	vld [tilespmem:s6+$0x20]  }
0x109: {  	v10 =	vld [tilespmem:s6+$0xFFFFFFC0]  }
0x10a: {  	v11 =	vld [tilespmem:s9+$0xFFFFFFC0]  }
0x10b: {  	v12 =	vld [tilespmem:s9+$0xFFFFFFD0]  }
0x10c: {  	v13 =	vld [tilespmem:s9+$0xFFFFFFE0]  }
0x10d: {  	v59 =	vld [tilespmem:s9+$0x0]  }
0x10e: {  	v14 =	vld [tilespmem:s9+$0x10]  }
0x10f: {  	s0 =	simm.s32 $0x0;
	v15 =	vld [tilespmem:s9+$0x20]  }
0x110: {  	[tilespmem:v2+s0+$0x0] =	vst.idx.add.f32.msk $0xffff, v5  }
0x111: {  	[tilespmem:v10+s0+$0x0] =	vst.idx.add.f32.msk $0xffff, v11  }
0x112: {  	[tilespmem:v3+s0+$0x0] =	vst.idx.add.f32.msk $0xffff, v12  }
0x113: {  	[tilespmem:v4+s0+$0x0] =	vst.idx.add.f32.msk $0xffff, v13  }
0x114: {  	[tilespmem:v7+s0+$0x0] =	vst.idx.add.f32.msk $0xffff, v59  }
0x115: {  	s21 =	simm.s32 $0x1D040;
	[tilespmem:v8+s0+$0x0] =	vst.idx.add.f32.msk $0xffff, v14  }
0x116: {  	v5 =	vld [tilespmem:s21+$0x30]  }
0x117: {  	[tilespmem:v9+s0+$0x0] =	vst.idx.add.f32.msk $0xffff, v15  }
0x118: {  	v60 =	vld [tilespmem:s21+$0xFFFFFFD0]  }
0x119: {  	v61 =	vld [tilespmem:s21+$0xFFFFFFE0]  }
0x11a: {  	v63 =	vld [tilespmem:s21+$0x0]  }
0x11b: {  	[tilespmem:v2+s17+$0x0] =	vst.idx.add.f32.msk $0xffff, v5  }
0x11c: {  	v2 =	vld [tilespmem:s9+$0xFFFFFFF0]  }
0x11d: {  	v14 =	vld [tilespmem:s21+$0x10]  }
0x11e: {  	v15 =	vld [tilespmem:s21+$0x20]  }
0x11f: {  	[tilespmem:v3+s17+$0x0] =	vst.idx.add.f32.msk $0xffff, v60  }
0x120: {  	[tilespmem:v4+s17+$0x0] =	vst.idx.add.f32.msk $0xffff, v61  }
0x121: {  	[tilespmem:v6+s0+$0x0] =	vst.idx.add.f32.msk $0xffff, v2  }
0x122: {  	v2 =	vld [tilespmem:s21+$0xFFFFFFC0]  }
0x123: {  	v62 =	vld [tilespmem:s21+$0xFFFFFFF0]  }
0x124: {  	[tilespmem:v7+s17+$0x0] =	vst.idx.add.f32.msk $0xffff, v63  }
0x125: {  	[tilespmem:v8+s17+$0x0] =	vst.idx.add.f32.msk $0xffff, v14  }
0x126: {  	[tilespmem:v9+s17+$0x0] =	vst.idx.add.f32.msk $0xffff, v15  }
0x127: {  	[tilespmem:v10+s17+$0x0] =	vst.idx.add.f32.msk $0xffff, v2  }
0x128: {  	s3 =	simm.s32 $0x0;
	s1 =	simm.s32 $0x1B0C0;
	[tilespmem:v6+s17+$0x0] =	vst.idx.add.f32.msk $0xffff, v62  }
.LBB2_18:
0x129: {  	v2 =	vld [tilespmem:s1+$0x30];
	s3 =	sadd.s32 $0x8, s3  }
0x12a: {  	v3 =	vld [tilespmem:s1+$0xFFFFFFD0];
	p1 =	slt.u32 s3, $0xF0  }
0x12b: {  	s9 =	sadd.s32 $0x80, s9;
	v4 =	vld [tilespmem:s1+$0xFFFFFFE0]  }
0x12c: {  	v5 =	vld [tilespmem:s9+$0x30]  }
0x12d: {  	v6 =	vld [tilespmem:s1+$0xFFFFFFF0]  }
0x12e: {  	v7 =	vld [tilespmem:s1+$0x0]  }
0x12f: {  	v8 =	vld [tilespmem:s1+$0x10]  }
0x130: {  	v9 =	vld [tilespmem:s1+$0x20]  }
0x131: {  	s21 =	sadd.s32 $0x80, s21;
	[tilespmem:v2+s0+$0x0] =	vst.idx.add.f32.msk $0xffff, v5  }
0x132: {  	v5 =	vld [tilespmem:s21+$0x30]  }
0x133: {  	v10 =	vld [tilespmem:s1+$0xFFFFFFC0]  }
0x134: {  	v11 =	vld [tilespmem:s9+$0xFFFFFFC0]  }
0x135: {  	v12 =	vld [tilespmem:s9+$0xFFFFFFD0]  }
0x136: {  	v13 =	vld [tilespmem:s9+$0xFFFFFFE0]  }
0x137: {  	[tilespmem:v2+s17+$0x0] =	vst.idx.add.f32.msk $0xffff, v5  }
0x138: {  	v2 =	vld [tilespmem:s9+$0xFFFFFFF0]  }
0x139: {  	v5 =	vld [tilespmem:s9+$0x0]  }
0x13a: {  	v14 =	vld [tilespmem:s9+$0x10]  }
0x13b: {  	v15 =	vld [tilespmem:s9+$0x20]  }
0x13c: {  	[tilespmem:v10+s0+$0x0] =	vst.idx.add.f32.msk $0xffff, v11  }
0x13d: {  	[tilespmem:v3+s0+$0x0] =	vst.idx.add.f32.msk $0xffff, v12  }
0x13e: {  	[tilespmem:v4+s0+$0x0] =	vst.idx.add.f32.msk $0xffff, v13  }
0x13f: {  	[tilespmem:v6+s0+$0x0] =	vst.idx.add.f32.msk $0xffff, v2  }
0x140: {  	[tilespmem:v7+s0+$0x0] =	vst.idx.add.f32.msk $0xffff, v5  }
0x141: {  	[tilespmem:v8+s0+$0x0] =	vst.idx.add.f32.msk $0xffff, v14  }
0x142: {  	[tilespmem:v9+s0+$0x0] =	vst.idx.add.f32.msk $0xffff, v15  }
0x143: {  	v2 =	vld [tilespmem:s21+$0xFFFFFFC0]  }
0x144: {  	v5 =	vld [tilespmem:s21+$0xFFFFFFD0]  }
0x145: {  	v11 =	vld [tilespmem:s21+$0xFFFFFFE0]  }
0x146: {  	v12 =	vld [tilespmem:s21+$0xFFFFFFF0]  }
0x147: {  	v13 =	vld [tilespmem:s21+$0x0]  }
0x148: {  	v14 =	vld [tilespmem:s21+$0x10]  }
0x149: {  	v15 =	vld [tilespmem:s21+$0x20]  }
0x14a: {  	[tilespmem:v10+s17+$0x0] =	vst.idx.add.f32.msk $0xffff, v2  }
0x14b: {  	[tilespmem:v3+s17+$0x0] =	vst.idx.add.f32.msk $0xffff, v5  }
.Ltmp14:
0x14c: {  	[tilespmem:v4+s17+$0x0] =	vst.idx.add.f32.msk $0xffff, v11;
	(pc) =	sbr.rel @p1 .LBB2_18-.Ltmp14, $4  }
0x14d: {  	[tilespmem:v6+s17+$0x0] =	vst.idx.add.f32.msk $0xffff, v12  }
0x14e: {  	[tilespmem:v7+s17+$0x0] =	vst.idx.add.f32.msk $0xffff, v13  }
0x14f: {  	[tilespmem:v8+s17+$0x0] =	vst.idx.add.f32.msk $0xffff, v14  }
0x150: {  	s1 =	sadd.s32 $0x80, s1;
	[tilespmem:v9+s17+$0x0] =	vst.idx.add.f32.msk $0xffff, v15  }
.LBB2_19:
0x151: {  	s1 =	sshra.s32 s0, $0x2  }
0x152: {  	v2 =	vld [tilespmem:s1+$0x1BF80];
	_ =	sdelay $0x2  }
0x153: {  	v3 =	vld [tilespmem:s1+$0x1CF80];
	_ =	sdelay $0x4  }
0x154: {  	[tilespmem:v2+s2+$0x0] =	vst.idx.add.f32.msk $0xffff, v3  }
0x155: {  	p1 =	sne.s32 s0, $0x40;
	v3 =	vld [tilespmem:s1+$0x1DF80]  }
.Ltmp15:
0x156: {  	_ = 	snop;
	(pc) =	sbr.rel @p1 .LBB2_19-.Ltmp15, $2  }
0x157: {  	_ =	sdelay $0x2  }
0x158: {  	s0 =	sadd.s32 $0x40, s0;
	[tilespmem:v2+s17+$0x0] =	vst.idx.add.f32.msk $0xffff, v3  }
.Ltmp16:
0x159: {  	(pc) =	sbr.rel @!p0 .LBB2_25-.Ltmp16, $1  }
0x15a: {  	_ =	sdelay $0x3  }
0x15b: {  	s0 =	simm.s32 $0x1B040  }
0x15c: {  	v3 =	vld [tilespmem:s0+$0xFFFFFFC0]  }
0x15d: {  	v4 =	vld [tilespmem:s0+$0x30]  }
0x15e: {  	v5 =	vld [tilespmem:s0+$0x20]  }
0x15f: {  	v6 =	vld [tilespmem:s0+$0x10]  }
0x160: {  	v7 =	vld [tilespmem:s0+$0x0]  }
0x161: {  	v8 =	vld [tilespmem:s0+$0xFFFFFFF0]  }
0x162: {  	v9 =	vld [tilespmem:s0+$0xFFFFFFE0]  }
0x163: {  	v2 =	vld [tilespmem:s0+$0xFFFFFFD0]  }
0x164: {  	[tilespmem:v3+s18+$0x0] =	vst.idx.add.f32.msk $0xffff, v1  }
0x165: {  	[tilespmem:v4+s18+$0x0] =	vst.idx.add.f32.msk $0xffff, v1  }
0x166: {  	[tilespmem:v5+s18+$0x0] =	vst.idx.add.f32.msk $0xffff, v1  }
0x167: {  	[tilespmem:v6+s18+$0x0] =	vst.idx.add.f32.msk $0xffff, v1  }
0x168: {  	[tilespmem:v7+s18+$0x0] =	vst.idx.add.f32.msk $0xffff, v1  }
0x169: {  	[tilespmem:v8+s18+$0x0] =	vst.idx.add.f32.msk $0xffff, v1  }
0x16a: {  	s1 =	simm.s32 $0x0;
	[tilespmem:v9+s18+$0x0] =	vst.idx.add.f32.msk $0xffff, v1  }
.LBB2_22:
0x16b: {  	s1 =	sadd.s32 $0x8, s1;
	[tilespmem:v2+s18+$0x0] =	vst.idx.add.f32.msk $0xffff, v1;
	s0 =	sadd.s32 $0x80, s0  }
0x16c: {  	v3 =	vld [tilespmem:s0+$0xFFFFFFC0];
	p1 =	slt.u32 s1, $0xF0  }
0x16d: {  	v4 =	vld [tilespmem:s0+$0x30]  }
0x16e: {  	v5 =	vld [tilespmem:s0+$0x20]  }
0x16f: {  	v6 =	vld [tilespmem:s0+$0x10]  }
0x170: {  	v7 =	vld [tilespmem:s0+$0x0]  }
0x171: {  	v8 =	vld [tilespmem:s0+$0xFFFFFFF0]  }
0x172: {  	v9 =	vld [tilespmem:s0+$0xFFFFFFE0]  }
0x173: {  	v2 =	vld [tilespmem:s0+$0xFFFFFFD0]  }
0x174: {  	[tilespmem:v3+s18+$0x0] =	vst.idx.add.f32.msk $0xffff, v1  }
0x175: {  	[tilespmem:v4+s18+$0x0] =	vst.idx.add.f32.msk $0xffff, v1  }
.Ltmp17:
0x176: {  	[tilespmem:v5+s18+$0x0] =	vst.idx.add.f32.msk $0xffff, v1;
	(pc) =	sbr.rel @p1 .LBB2_22-.Ltmp17, $4  }
0x177: {  	[tilespmem:v6+s18+$0x0] =	vst.idx.add.f32.msk $0xffff, v1  }
0x178: {  	[tilespmem:v7+s18+$0x0] =	vst.idx.add.f32.msk $0xffff, v1  }
0x179: {  	[tilespmem:v8+s18+$0x0] =	vst.idx.add.f32.msk $0xffff, v1  }
0x17a: {  	[tilespmem:v9+s18+$0x0] =	vst.idx.add.f32.msk $0xffff, v1  }
0x17b: {  	_ =	sdelay $0x3  }
0x17c: {  	[tilespmem:v2+s18+$0x0] =	vst.idx.add.f32.msk $0xffff, v1;
	s0 =	simm.s32 $0x0  }
.LBB2_24:
0x17d: {  	s1 =	sshra.s32 s0, $0x2  }
0x17e: {  	v2 =	vld [tilespmem:s1+$0x1BF80];
	_ =	sdelay $0x2  }
0x17f: {  	p1 =	sne.s32 s0, $0x40  }
.Ltmp18:
0x180: {  	_ = 	snop;
	(pc) =	sbr.rel @p1 .LBB2_24-.Ltmp18, $2  }
0x181: {  	_ =	sdelay $0x2  }
0x182: {  	s0 =	sadd.s32 $0x40, s0;
	[tilespmem:v2+s18+$0x0] =	vst.idx.add.f32.msk $0xffff, v1  }
.Ltmp19:
0x183: {  	_ = 	snop;
	(pc) =	sbr.rel .LBB2_25-.Ltmp19, $1  }
0x184: {  	_ =	sdelay $0x3  }
.LBB2_26:
0x185: {  	_ =	swait.ge [sflag:s16], $0xFA0  }
0x186: {  	[sflag:s16] =	ssyncset.done $0x0  }
0x187: {  	[sflag:s16] =	ssyncadd.s32 $0xFFFFF060  }
0x188: {  	_ =	swait.ge [sflag:s16], $0xFA0  }
0x189: {  	[sflag:s16] =	ssyncset.done $0x0  }
0x18a: {  	[sflag:s16] =	ssyncadd.s32 $0xFFFFF060  }
0x18b: {  	_ =	swait.ge [sflag:s16], $0xFA0  }
0x18c: {  	[sflag:s16] =	ssyncset.done $0x0  }
0x18d: {  	s1 =	simm.s32 $0x18040;
	[sflag:s16] =	ssyncadd.s32 $0xFFFFF060  }
0x18e: {  	v2 =	vld [tilespmem:s1+$0x30]  }
0x18f: {  	v3 =	vld [tilespmem:s1+$0xFFFFFFD0]  }
0x190: {  	s9 =	simm.s32 $0x19040;
	v4 =	vld [tilespmem:s1+$0xFFFFFFE0]  }
0x191: {  	v5 =	vld [tilespmem:s9+$0x30]  }
0x192: {  	v6 =	vld [tilespmem:s1+$0xFFFFFFF0]  }
0x193: {  	v7 =	vld [tilespmem:s1+$0x0]  }
0x194: {  	v8 =	vld [tilespmem:s1+$0x10]  }
0x195: {  	v9 =	vld [tilespmem:s1+$0x20]  }
0x196: {  	v10 =	vld [tilespmem:s1+$0xFFFFFFC0]  }
0x197: {  	v11 =	vld [tilespmem:s9+$0xFFFFFFC0]  }
0x198: {  	v12 =	vld [tilespmem:s9+$0xFFFFFFD0]  }
0x199: {  	v13 =	vld [tilespmem:s9+$0xFFFFFFE0]  }
0x19a: {  	v59 =	vld [tilespmem:s9+$0x0]  }
0x19b: {  	v14 =	vld [tilespmem:s9+$0x10]  }
0x19c: {  	s0 =	simm.s32 $0x0;
	v15 =	vld [tilespmem:s9+$0x20]  }
0x19d: {  	[tilespmem:v2+s0+$0x0] =	vst.idx.add.f32.msk $0xffff, v5  }
0x19e: {  	[tilespmem:v10+s0+$0x0] =	vst.idx.add.f32.msk $0xffff, v11  }
0x19f: {  	[tilespmem:v3+s0+$0x0] =	vst.idx.add.f32.msk $0xffff, v12  }
0x1a0: {  	[tilespmem:v4+s0+$0x0] =	vst.idx.add.f32.msk $0xffff, v13  }
0x1a1: {  	[tilespmem:v7+s0+$0x0] =	vst.idx.add.f32.msk $0xffff, v59  }
0x1a2: {  	s21 =	simm.s32 $0x1A040;
	[tilespmem:v8+s0+$0x0] =	vst.idx.add.f32.msk $0xffff, v14  }
0x1a3: {  	v5 =	vld [tilespmem:s21+$0x30]  }
0x1a4: {  	[tilespmem:v9+s0+$0x0] =	vst.idx.add.f32.msk $0xffff, v15  }
0x1a5: {  	v60 =	vld [tilespmem:s21+$0xFFFFFFD0]  }
0x1a6: {  	v61 =	vld [tilespmem:s21+$0xFFFFFFE0]  }
0x1a7: {  	v63 =	vld [tilespmem:s21+$0x0]  }
0x1a8: {  	[tilespmem:v2+s17+$0x0] =	vst.idx.add.f32.msk $0xffff, v5  }
0x1a9: {  	v2 =	vld [tilespmem:s9+$0xFFFFFFF0]  }
0x1aa: {  	v14 =	vld [tilespmem:s21+$0x10]  }
0x1ab: {  	v15 =	vld [tilespmem:s21+$0x20]  }
0x1ac: {  	[tilespmem:v3+s17+$0x0] =	vst.idx.add.f32.msk $0xffff, v60  }
0x1ad: {  	[tilespmem:v4+s17+$0x0] =	vst.idx.add.f32.msk $0xffff, v61  }
0x1ae: {  	[tilespmem:v6+s0+$0x0] =	vst.idx.add.f32.msk $0xffff, v2  }
0x1af: {  	v2 =	vld [tilespmem:s21+$0xFFFFFFC0]  }
0x1b0: {  	v62 =	vld [tilespmem:s21+$0xFFFFFFF0]  }
0x1b1: {  	[tilespmem:v7+s17+$0x0] =	vst.idx.add.f32.msk $0xffff, v63  }
0x1b2: {  	[tilespmem:v8+s17+$0x0] =	vst.idx.add.f32.msk $0xffff, v14  }
0x1b3: {  	[tilespmem:v9+s17+$0x0] =	vst.idx.add.f32.msk $0xffff, v15  }
0x1b4: {  	[tilespmem:v10+s17+$0x0] =	vst.idx.add.f32.msk $0xffff, v2  }
0x1b5: {  	s3 =	simm.s32 $0x0;
	s1 =	simm.s32 $0x180C0;
	[tilespmem:v6+s17+$0x0] =	vst.idx.add.f32.msk $0xffff, v62  }
.LBB2_27:
0x1b6: {  	v2 =	vld [tilespmem:s1+$0x30];
	s3 =	sadd.s32 $0x8, s3  }
0x1b7: {  	v3 =	vld [tilespmem:s1+$0xFFFFFFD0];
	p1 =	slt.u32 s3, $0xF0  }
0x1b8: {  	s9 =	sadd.s32 $0x80, s9;
	v4 =	vld [tilespmem:s1+$0xFFFFFFE0]  }
0x1b9: {  	v5 =	vld [tilespmem:s9+$0x30]  }
0x1ba: {  	v6 =	vld [tilespmem:s1+$0xFFFFFFF0]  }
0x1bb: {  	v7 =	vld [tilespmem:s1+$0x0]  }
0x1bc: {  	v8 =	vld [tilespmem:s1+$0x10]  }
0x1bd: {  	v9 =	vld [tilespmem:s1+$0x20]  }
0x1be: {  	s21 =	sadd.s32 $0x80, s21;
	[tilespmem:v2+s0+$0x0] =	vst.idx.add.f32.msk $0xffff, v5  }
0x1bf: {  	v5 =	vld [tilespmem:s21+$0x30]  }
0x1c0: {  	v10 =	vld [tilespmem:s1+$0xFFFFFFC0]  }
0x1c1: {  	v11 =	vld [tilespmem:s9+$0xFFFFFFC0]  }
0x1c2: {  	v12 =	vld [tilespmem:s9+$0xFFFFFFD0]  }
0x1c3: {  	v13 =	vld [tilespmem:s9+$0xFFFFFFE0]  }
0x1c4: {  	[tilespmem:v2+s17+$0x0] =	vst.idx.add.f32.msk $0xffff, v5  }
0x1c5: {  	v2 =	vld [tilespmem:s9+$0xFFFFFFF0]  }
0x1c6: {  	v5 =	vld [tilespmem:s9+$0x0]  }
0x1c7: {  	v14 =	vld [tilespmem:s9+$0x10]  }
0x1c8: {  	v15 =	vld [tilespmem:s9+$0x20]  }
0x1c9: {  	[tilespmem:v10+s0+$0x0] =	vst.idx.add.f32.msk $0xffff, v11  }
0x1ca: {  	[tilespmem:v3+s0+$0x0] =	vst.idx.add.f32.msk $0xffff, v12  }
0x1cb: {  	[tilespmem:v4+s0+$0x0] =	vst.idx.add.f32.msk $0xffff, v13  }
0x1cc: {  	[tilespmem:v6+s0+$0x0] =	vst.idx.add.f32.msk $0xffff, v2  }
0x1cd: {  	[tilespmem:v7+s0+$0x0] =	vst.idx.add.f32.msk $0xffff, v5  }
0x1ce: {  	[tilespmem:v8+s0+$0x0] =	vst.idx.add.f32.msk $0xffff, v14  }
0x1cf: {  	[tilespmem:v9+s0+$0x0] =	vst.idx.add.f32.msk $0xffff, v15  }
0x1d0: {  	v2 =	vld [tilespmem:s21+$0xFFFFFFC0]  }
0x1d1: {  	v5 =	vld [tilespmem:s21+$0xFFFFFFD0]  }
0x1d2: {  	v11 =	vld [tilespmem:s21+$0xFFFFFFE0]  }
0x1d3: {  	v12 =	vld [tilespmem:s21+$0xFFFFFFF0]  }
0x1d4: {  	v13 =	vld [tilespmem:s21+$0x0]  }
0x1d5: {  	v14 =	vld [tilespmem:s21+$0x10]  }
0x1d6: {  	v15 =	vld [tilespmem:s21+$0x20]  }
0x1d7: {  	[tilespmem:v10+s17+$0x0] =	vst.idx.add.f32.msk $0xffff, v2  }
0x1d8: {  	[tilespmem:v3+s17+$0x0] =	vst.idx.add.f32.msk $0xffff, v5  }
.Ltmp20:
0x1d9: {  	[tilespmem:v4+s17+$0x0] =	vst.idx.add.f32.msk $0xffff, v11;
	(pc) =	sbr.rel @p1 .LBB2_27-.Ltmp20, $4  }
0x1da: {  	[tilespmem:v6+s17+$0x0] =	vst.idx.add.f32.msk $0xffff, v12  }
0x1db: {  	[tilespmem:v7+s17+$0x0] =	vst.idx.add.f32.msk $0xffff, v13  }
0x1dc: {  	[tilespmem:v8+s17+$0x0] =	vst.idx.add.f32.msk $0xffff, v14  }
0x1dd: {  	s1 =	sadd.s32 $0x80, s1;
	[tilespmem:v9+s17+$0x0] =	vst.idx.add.f32.msk $0xffff, v15  }
.LBB2_28:
0x1de: {  	s1 =	sshra.s32 s0, $0x2  }
0x1df: {  	v2 =	vld [tilespmem:s1+$0x18F80];
	_ =	sdelay $0x2  }
0x1e0: {  	v3 =	vld [tilespmem:s1+$0x19F80];
	_ =	sdelay $0x4  }
0x1e1: {  	[tilespmem:v2+s2+$0x0] =	vst.idx.add.f32.msk $0xffff, v3  }
0x1e2: {  	p1 =	sne.s32 s0, $0x40;
	v3 =	vld [tilespmem:s1+$0x1AF80]  }
.Ltmp21:
0x1e3: {  	_ = 	snop;
	(pc) =	sbr.rel @p1 .LBB2_28-.Ltmp21, $2  }
0x1e4: {  	_ =	sdelay $0x2  }
0x1e5: {  	s0 =	sadd.s32 $0x40, s0;
	[tilespmem:v2+s17+$0x0] =	vst.idx.add.f32.msk $0xffff, v3  }
.Ltmp22:
0x1e6: {  	(pc) =	sbr.rel @!p0 .LBB2_34-.Ltmp22, $1  }
0x1e7: {  	_ =	sdelay $0x3  }
0x1e8: {  	s0 =	simm.s32 $0x18040  }
0x1e9: {  	v3 =	vld [tilespmem:s0+$0xFFFFFFC0]  }
0x1ea: {  	v4 =	vld [tilespmem:s0+$0x30]  }
0x1eb: {  	v5 =	vld [tilespmem:s0+$0x20]  }
0x1ec: {  	v6 =	vld [tilespmem:s0+$0x10]  }
0x1ed: {  	v7 =	vld [tilespmem:s0+$0x0]  }
0x1ee: {  	v8 =	vld [tilespmem:s0+$0xFFFFFFF0]  }
0x1ef: {  	v9 =	vld [tilespmem:s0+$0xFFFFFFE0]  }
0x1f0: {  	v2 =	vld [tilespmem:s0+$0xFFFFFFD0]  }
0x1f1: {  	[tilespmem:v3+s18+$0x0] =	vst.idx.add.f32.msk $0xffff, v1  }
0x1f2: {  	[tilespmem:v4+s18+$0x0] =	vst.idx.add.f32.msk $0xffff, v1  }
0x1f3: {  	[tilespmem:v5+s18+$0x0] =	vst.idx.add.f32.msk $0xffff, v1  }
0x1f4: {  	[tilespmem:v6+s18+$0x0] =	vst.idx.add.f32.msk $0xffff, v1  }
0x1f5: {  	[tilespmem:v7+s18+$0x0] =	vst.idx.add.f32.msk $0xffff, v1  }
0x1f6: {  	[tilespmem:v8+s18+$0x0] =	vst.idx.add.f32.msk $0xffff, v1  }
0x1f7: {  	s1 =	simm.s32 $0x0;
	[tilespmem:v9+s18+$0x0] =	vst.idx.add.f32.msk $0xffff, v1  }
.LBB2_31:
0x1f8: {  	s1 =	sadd.s32 $0x8, s1;
	[tilespmem:v2+s18+$0x0] =	vst.idx.add.f32.msk $0xffff, v1;
	s0 =	sadd.s32 $0x80, s0  }
0x1f9: {  	v3 =	vld [tilespmem:s0+$0xFFFFFFC0];
	p1 =	slt.u32 s1, $0xF0  }
0x1fa: {  	v4 =	vld [tilespmem:s0+$0x30]  }
0x1fb: {  	v5 =	vld [tilespmem:s0+$0x20]  }
0x1fc: {  	v6 =	vld [tilespmem:s0+$0x10]  }
0x1fd: {  	v7 =	vld [tilespmem:s0+$0x0]  }
0x1fe: {  	v8 =	vld [tilespmem:s0+$0xFFFFFFF0]  }
0x1ff: {  	v9 =	vld [tilespmem:s0+$0xFFFFFFE0]  }
0x200: {  	v2 =	vld [tilespmem:s0+$0xFFFFFFD0]  }
0x201: {  	[tilespmem:v3+s18+$0x0] =	vst.idx.add.f32.msk $0xffff, v1  }
0x202: {  	[tilespmem:v4+s18+$0x0] =	vst.idx.add.f32.msk $0xffff, v1  }
.Ltmp23:
0x203: {  	[tilespmem:v5+s18+$0x0] =	vst.idx.add.f32.msk $0xffff, v1;
	(pc) =	sbr.rel @p1 .LBB2_31-.Ltmp23, $4  }
0x204: {  	[tilespmem:v6+s18+$0x0] =	vst.idx.add.f32.msk $0xffff, v1  }
0x205: {  	[tilespmem:v7+s18+$0x0] =	vst.idx.add.f32.msk $0xffff, v1  }
0x206: {  	[tilespmem:v8+s18+$0x0] =	vst.idx.add.f32.msk $0xffff, v1  }
0x207: {  	[tilespmem:v9+s18+$0x0] =	vst.idx.add.f32.msk $0xffff, v1  }
0x208: {  	_ =	sdelay $0x3  }
0x209: {  	[tilespmem:v2+s18+$0x0] =	vst.idx.add.f32.msk $0xffff, v1;
	s0 =	simm.s32 $0x0  }
.LBB2_33:
0x20a: {  	s1 =	sshra.s32 s0, $0x2  }
0x20b: {  	v2 =	vld [tilespmem:s1+$0x18F80];
	_ =	sdelay $0x2  }
0x20c: {  	p1 =	sne.s32 s0, $0x40  }
.Ltmp24:
0x20d: {  	_ = 	snop;
	(pc) =	sbr.rel @p1 .LBB2_33-.Ltmp24, $2  }
0x20e: {  	_ =	sdelay $0x2  }
0x20f: {  	s0 =	sadd.s32 $0x40, s0;
	[tilespmem:v2+s18+$0x0] =	vst.idx.add.f32.msk $0xffff, v1  }
.Ltmp25:
0x210: {  	_ = 	snop;
	(pc) =	sbr.rel .LBB2_34-.Ltmp25, $1  }
0x211: {  	_ =	sdelay $0x3  }
.LBB2_36:
0x212: {  	_ =	sfence.sel $0x180000  }
0x213: {  	[bflag:$0x0] =	sbarrier.arrive $0xFFFF  }
0x214: {  	_ =	strace $0x90000047  }
0x215: {  	s0 =	stileid.u32;
	[bflag:$0x2] =	sbarrier.arrive $0xFFFF  }
0x216: {  	p0 =	sne.s32 s0, $0x0;
	s0 =	rddreg [dreg:$0x2]  }
0x217: {  	s0 =	sadd.s32 @!p0 $0x100000, s0  }
0x218: {  	[sflag:s0] =	ssyncadd.tile.s32 @!p0 $0x1;
	_ =	shalt  }
.Lfunc_end2:
_tile_overlayer_lowered:
.L_overlay_start_2:
0x219: {  	(tag) =	ssettag $0x2  }
0x21a: {  	s0 =	rddreg [dreg:$0x0];
	s2 =	stileid.u32  }
0x21b: {  	s1 =	rddreg [dreg:$0x1];
	p0 =	sne.s32 s2, $0x0  }
0x21c: {  	s3 =	rddreg [dreg:$0x2];
	[bflag:$0x3] =	sbarrier.arrive $0xFFFF;
	s2 =	simm.s32 @!p0 $0x1C03  }
0x21d: {  	[timem:s3], [sflag:s2] =	dma.local @!p0 [hbm:s0], s1  }
0x21e: {  	s0 =	simm.s32 @!p0 $0x3  }
0x21f: {  	_ =	swait.ge @!p0 [sflag:s0], s1  }
0x220: {  	s1 =	ssub.s32 @!p0 $0x0, s1;
	[sflag:s0] =	ssyncset.done @!p0 $0x0  }
0x221: {  	[sflag:s0] =	ssyncadd.s32 @!p0 s1  }
0x222: {  	[bflag:$0x3] =	sbarrier.arrive $0xFFFF  }
0x223: {  	_ =	shalt  }

</sc_bundles>
